<compile_context>
chip_gen: v7x
topology: tpu7x:2x2x1
jax: 0.10.2.dev20260603
libtpu: 0.0.44.dev20260713+nightly
codegen_flags: <defaults>
</compile_context>

<pallas_src>
import functools

import jax
import jax.numpy as jnp
from jax import lax
from jax.experimental import pallas as pl
from jax.experimental.pallas import tpu as pltpu
from jax.experimental.pallas import tpu_sc as plsc

_NC = 2
_NS = 16
_NW = _NC * _NS
_CH = 16
_SLOTS = 3


def _stream_slab(src_hbm, src_base, out_hbm, dst_base, stage, in_sems, out_sems, nch):
    in_copies = [
        pltpu.make_async_copy(
            src_hbm.at[pl.ds(src_base + j * _CH, _CH)],
            stage.at[j % _SLOTS],
            in_sems.at[j % _SLOTS],
        )
        for j in range(nch)
    ]
    out_copies = []
    for j in range(min(_SLOTS, nch)):
        in_copies[j].start()
    for j in range(nch):
        slot = j % _SLOTS
        in_copies[j].wait()
        oc = pltpu.make_async_copy(
            stage.at[slot],
            out_hbm.at[pl.ds(dst_base + j * _CH, _CH)],
            out_sems.at[slot],
        )
        oc.start()
        out_copies.append(oc)
        nxt = j + _SLOTS
        if nxt < nch:
            oc.wait()
            in_copies[nxt].start()
    for j in range(max(0, nch - _SLOTS), nch):
        out_copies[j].wait()


def kernel(inputs, buffer):
    b, d = inputs.shape
    n_steps = buffer.shape[0]
    seg = n_steps // b
    n_outer = n_steps // seg
    rows_w = n_outer // _NW
    nch = rows_w // _CH
    in_outer = b // seg
    n_in_workers = in_outer // rows_w

    inputs3 = inputs.reshape(in_outer, seg, d)
    buffer3 = buffer.reshape(n_outer, seg, d)

    mesh = plsc.VectorSubcoreMesh(core_axis_name="c", subcore_axis_name="s")

    @functools.partial(
        pl.kernel,
        out_type=jax.ShapeDtypeStruct((b, seg, d), inputs.dtype),
        mesh=mesh,
        scratch_types=[
            pltpu.MemorySpace.VMEM((_SLOTS, _CH, seg, d), jnp.float32),
            pltpu.SemaphoreType.DMA((_SLOTS,)),
            pltpu.SemaphoreType.DMA((_SLOTS,)),
        ],
    )
    def run(inputs_hbm, buffer_hbm, out_hbm, stage, in_sems, out_sems):
        cid = lax.axis_index("c")
        sid = lax.axis_index("s")
        wid = sid * _NC + cid
        base = wid * rows_w

        @pl.when(wid < n_in_workers)
        def _():
            _stream_slab(inputs_hbm, base, out_hbm, base, stage, in_sems, out_sems, nch)

        @pl.when(wid >= n_in_workers)
        def _():
            _stream_slab(buffer_hbm, base - in_outer, out_hbm, base, stage, in_sems, out_sems, nch)

    return run(inputs3, buffer3)

# --- scband reference (transcript-rebuilt; emitter-appended) ---
"""Pipeline reference for scband-buffer-35854386987226 (READ-ONLY COPY).

The authoritative reference and input builder live on the scoring server;
editing this copy changes nothing except your own understanding.
"""

import jax, jax.numpy as jnp
import numpy as np

N_STEPS = 65536
BATCH = 4096
D = 64


def setup_inputs(seed: int = 0) -> dict:
    key = jax.random.key(seed)
    k1, k2 = jax.random.split(key)
    inputs = jax.random.normal(k1, (BATCH, D), dtype=jnp.float32)
    # buffer state (non-trainable weight, glorot_uniform-initialized in original;
    # random normal scaled to similar magnitude here)
    limit = float(np.sqrt(6.0 / (N_STEPS + D)))
    buffer = jax.random.uniform(k2, (N_STEPS, D), dtype=jnp.float32, minval=-limit, maxval=limit)
    return {"inputs": inputs, "buffer": buffer}


def reference(inputs, buffer):
    b = inputs.shape[0]
    n_steps = buffer.shape[0]
    tail_shape = (n_steps - b,) + tuple(inputs.shape[1:])
    # masked_inputs = concat([inputs, zeros])
    masked_inputs = jnp.concatenate([inputs, jnp.zeros(tail_shape, dtype=inputs.dtype)], axis=0)
    # nullifying_mask = concat([zeros_like(inputs), ones])
    nullifying_mask = jnp.concatenate([
        jnp.zeros(inputs.shape, dtype=inputs.dtype),
        jnp.ones(tail_shape, dtype=inputs.dtype),
    ], axis=0)
    # FIFO shift: roll old buffer forward by batch size, zero the freed slots, write inputs
    rolled = jnp.roll(buffer, shift=b, axis=0)
    new_buffer = rolled * nullifying_mask + masked_inputs
    # output reshape: (batch, n_steps/batch, feat...)
    out = jnp.reshape(new_buffer, (b, n_steps // b) + tuple(buffer.shape[1:]))
    return out

if __name__ == "__main__":
    import jax
    _d = setup_inputs()
    print(jax.jit(kernel)(*tuple(_d.values())))

</pallas_src>

<mosaic_0001>
#map = affine_map<(d0, d1) -> (0, 0, 0)>
module attributes {stable_mosaic.version = 14 : i64} {
  func.func @run(%arg0: i32, %arg1: i32, %arg2: memref<256x16x64xf32, #tpu.memory_space<hbm>>, %arg3: memref<4096x16x64xf32, #tpu.memory_space<hbm>>, %arg4: memref<4096x16x64xf32, #tpu.memory_space<hbm>>, %arg5: memref<3x16x16x64xf32, #tpu.memory_space<vmem>>, %arg6: memref<3x!tpu.dma_semaphore, #tpu.memory_space<semaphore_mem>>, %arg7: memref<3x!tpu.dma_semaphore, #tpu.memory_space<semaphore_mem>>) attributes {dimension_semantics = [#tpu.dimension_semantics<core_parallel>, #tpu.dimension_semantics<subcore_parallel>], iteration_bounds = array<i64: 2, 16>, scalar_prefetch = 0 : i64, scratch_operands = 3 : i64, tpu.core_type = #tpu.core_type<sc_vector_subcore>, window_params = [{transform_indices = #map}, {transform_indices = #map}, {transform_indices = #map}]} {
    %mul3A = arith.constant 2 : i32
    %mul3A_0 = arith.muli %arg1, %mul3A : i32
    %add3A = arith.addi %mul3A_0, %arg0 : i32
    %mul3A_1 = arith.constant 128 : i32
    %mul3A_2 = arith.muli %add3A, %mul3A_1 : i32
    %lt3A = arith.constant 2 : i32
    %lt3A_3 = arith.cmpi slt, %add3A, %lt3A : i32
    %convert_element_type3A = arith.extui %lt3A_3 : i1 to i32
    %cond3A = arith.constant 0 : i32
    %cond3A_4 = arith.cmpi ne, %convert_element_type3A, %cond3A : i32
    scf.if %cond3A_4 {
      %add3A_9 = arith.constant 0 : i32
      %add3A_10 = arith.addi %mul3A_2, %add3A_9 : i32
      %add3A_11 = arith.constant 16 : i32
      %add3A_12 = arith.addi %mul3A_2, %add3A_11 : i32
      %add3A_13 = arith.constant 32 : i32
      %add3A_14 = arith.addi %mul3A_2, %add3A_13 : i32
      %add3A_15 = arith.constant 48 : i32
      %add3A_16 = arith.addi %mul3A_2, %add3A_15 : i32
      %add3A_17 = arith.constant 64 : i32
      %add3A_18 = arith.addi %mul3A_2, %add3A_17 : i32
      %add3A_19 = arith.constant 80 : i32
      %add3A_20 = arith.addi %mul3A_2, %add3A_19 : i32
      %add3A_21 = arith.constant 96 : i32
      %add3A_22 = arith.addi %mul3A_2, %add3A_21 : i32
      %add3A_23 = arith.constant 112 : i32
      %add3A_24 = arith.addi %mul3A_2, %add3A_23 : i32
      %dma_start3A = arith.constant 0 : i32
      %dma_start3A_25 = arith.constant 0 : i32
      %dma_start3A_26 = arith.constant 0 : i32
      %dma_start3A_27 = arith.constant 0 : i32
      %dma_start3A_28 = arith.constant 0 : i32
      %dma_start3A_29 = tpu.memref_slice %arg5[%dma_start3A, %dma_start3A_26, %dma_start3A_27, %dma_start3A_28] : memref<3x16x16x64xf32, #tpu.memory_space<vmem>> -> memref<1x16x16x64xf32, #tpu.memory_space<vmem>>
      %dma_start3A_30 = tpu.memref_squeeze %dma_start3A_29 : memref<1x16x16x64xf32, #tpu.memory_space<vmem>> -> memref<16x16x64xf32, #tpu.memory_space<vmem>>
      %dma_start3A_31 = arith.constant 0 : i32
      %dma_start3A_32 = arith.constant 0 : i32
      %dma_start3A_33 = tpu.memref_slice %arg2[%add3A_10, %dma_start3A_31, %dma_start3A_32] : memref<256x16x64xf32, #tpu.memory_space<hbm>> -> memref<16x16x64xf32, #tpu.memory_space<hbm>>
      %dma_start3A_34 = tpu.memref_slice %arg6[%dma_start3A_25] : memref<3x!tpu.dma_semaphore, #tpu.memory_space<semaphore_mem>> -> memref<1x!tpu.dma_semaphore, #tpu.memory_space<semaphore_mem>>
      %dma_start3A_35 = tpu.memref_squeeze %dma_start3A_34 : memref<1x!tpu.dma_semaphore, #tpu.memory_space<semaphore_mem>> -> memref<!tpu.dma_semaphore, #tpu.memory_space<semaphore_mem>>
      %dma_start3A_36 = arith.constant 0 : i32
      %dma_start3A_37 = arith.constant 0 : i32
      %dma_start3A_38 = arith.constant 0 : i32
      %dma_start3A_39 = tpu.memref_slice %arg5[%dma_start3A, %dma_start3A_36, %dma_start3A_37, %dma_start3A_38] : memref<3x16x16x64xf32, #tpu.memory_space<vmem>> -> memref<1x16x16x64xf32, #tpu.memory_space<vmem>>
      %dma_start3A_40 = tpu.memref_squeeze %dma_start3A_39 : memref<1x16x16x64xf32, #tpu.memory_space<vmem>> -> memref<16x16x64xf32, #tpu.memory_space<vmem>>
      %dma_start3A_41 = arith.constant 0 : i32
      %dma_start3A_42 = arith.constant 0 : i32
      %dma_start3A_43 = tpu.memref_slice %arg2[%add3A_10, %dma_start3A_41, %dma_start3A_42] : memref<256x16x64xf32, #tpu.memory_space<hbm>> -> memref<16x16x64xf32, #tpu.memory_space<hbm>>
      tpu.enqueue_dma source(%dma_start3A_43 : memref<16x16x64xf32, #tpu.memory_space<hbm>>) target(%dma_start3A_40 : memref<16x16x64xf32, #tpu.memory_space<vmem>>) target_semaphore(%dma_start3A_35 : memref<!tpu.dma_semaphore, #tpu.memory_space<semaphore_mem>>)
      %dma_start3A_44 = arith.constant 1 : i32
      %dma_start3A_45 = arith.constant 1 : i32
      %dma_start3A_46 = arith.constant 0 : i32
      %dma_start3A_47 = arith.constant 0 : i32
      %dma_start3A_48 = arith.constant 0 : i32
      %dma_start3A_49 = tpu.memref_slice %arg5[%dma_start3A_44, %dma_start3A_46, %dma_start3A_47, %dma_start3A_48] : memref<3x16x16x64xf32, #tpu.memory_space<vmem>> -> memref<1x16x16x64xf32, #tpu.memory_space<vmem>>
      %dma_start3A_50 = tpu.memref_squeeze %dma_start3A_49 : memref<1x16x16x64xf32, #tpu.memory_space<vmem>> -> memref<16x16x64xf32, #tpu.memory_space<vmem>>
      %dma_start3A_51 = arith.constant 0 : i32
      %dma_start3A_52 = arith.constant 0 : i32
      %dma_start3A_53 = tpu.memref_slice %arg2[%add3A_12, %dma_start3A_51, %dma_start3A_52] : memref<256x16x64xf32, #tpu.memory_space<hbm>> -> memref<16x16x64xf32, #tpu.memory_space<hbm>>
      %dma_start3A_54 = tpu.memref_slice %arg6[%dma_start3A_45] : memref<3x!tpu.dma_semaphore, #tpu.memory_space<semaphore_mem>> -> memref<1x!tpu.dma_semaphore, #tpu.memory_space<semaphore_mem>>
      %dma_start3A_55 = tpu.memref_squeeze %dma_start3A_54 : memref<1x!tpu.dma_semaphore, #tpu.memory_space<semaphore_mem>> -> memref<!tpu.dma_semaphore, #tpu.memory_space<semaphore_mem>>
      %dma_start3A_56 = arith.constant 0 : i32
      %dma_start3A_57 = arith.constant 0 : i32
      %dma_start3A_58 = arith.constant 0 : i32
      %dma_start3A_59 = tpu.memref_slice %arg5[%dma_start3A_44, %dma_start3A_56, %dma_start3A_57, %dma_start3A_58] : memref<3x16x16x64xf32, #tpu.memory_space<vmem>> -> memref<1x16x16x64xf32, #tpu.memory_space<vmem>>
      %dma_start3A_60 = tpu.memref_squeeze %dma_start3A_59 : memref<1x16x16x64xf32, #tpu.memory_space<vmem>> -> memref<16x16x64xf32, #tpu.memory_space<vmem>>
      %dma_start3A_61 = arith.constant 0 : i32
      %dma_start3A_62 = arith.constant 0 : i32
      %dma_start3A_63 = tpu.memref_slice %arg2[%add3A_12, %dma_start3A_61, %dma_start3A_62] : memref<256x16x64xf32, #tpu.memory_space<hbm>> -> memref<16x16x64xf32, #tpu.memory_space<hbm>>
      tpu.enqueue_dma source(%dma_start3A_63 : memref<16x16x64xf32, #tpu.memory_space<hbm>>) target(%dma_start3A_60 : memref<16x16x64xf32, #tpu.memory_space<vmem>>) target_semaphore(%dma_start3A_55 : memref<!tpu.dma_semaphore, #tpu.memory_space<semaphore_mem>>)
      %dma_start3A_64 = arith.constant 2 : i32
      %dma_start3A_65 = arith.constant 2 : i32
      %dma_start3A_66 = arith.constant 0 : i32
      %dma_start3A_67 = arith.constant 0 : i32
      %dma_start3A_68 = arith.constant 0 : i32
      %dma_start3A_69 = tpu.memref_slice %arg5[%dma_start3A_64, %dma_start3A_66, %dma_start3A_67, %dma_start3A_68] : memref<3x16x16x64xf32, #tpu.memory_space<vmem>> -> memref<1x16x16x64xf32, #tpu.memory_space<vmem>>
      %dma_start3A_70 = tpu.memref_squeeze %dma_start3A_69 : memref<1x16x16x64xf32, #tpu.memory_space<vmem>> -> memref<16x16x64xf32, #tpu.memory_space<vmem>>
      %dma_start3A_71 = arith.constant 0 : i32
      %dma_start3A_72 = arith.constant 0 : i32
      %dma_start3A_73 = tpu.memref_slice %arg2[%add3A_14, %dma_start3A_71, %dma_start3A_72] : memref<256x16x64xf32, #tpu.memory_space<hbm>> -> memref<16x16x64xf32, #tpu.memory_space<hbm>>
      %dma_start3A_74 = tpu.memref_slice %arg6[%dma_start3A_65] : memref<3x!tpu.dma_semaphore, #tpu.memory_space<semaphore_mem>> -> memref<1x!tpu.dma_semaphore, #tpu.memory_space<semaphore_mem>>
      %dma_start3A_75 = tpu.memref_squeeze %dma_start3A_74 : memref<1x!tpu.dma_semaphore, #tpu.memory_space<semaphore_mem>> -> memref<!tpu.dma_semaphore, #tpu.memory_space<semaphore_mem>>
      %dma_start3A_76 = arith.constant 0 : i32
      %dma_start3A_77 = arith.constant 0 : i32
      %dma_start3A_78 = arith.constant 0 : i32
      %dma_start3A_79 = tpu.memref_slice %arg5[%dma_start3A_64, %dma_start3A_76, %dma_start3A_77, %dma_start3A_78] : memref<3x16x16x64xf32, #tpu.memory_space<vmem>> -> memref<1x16x16x64xf32, #tpu.memory_space<vmem>>
      %dma_start3A_80 = tpu.memref_squeeze %dma_start3A_79 : memref<1x16x16x64xf32, #tpu.memory_space<vmem>> -> memref<16x16x64xf32, #tpu.memory_space<vmem>>
      %dma_start3A_81 = arith.constant 0 : i32
      %dma_start3A_82 = arith.constant 0 : i32
      %dma_start3A_83 = tpu.memref_slice %arg2[%add3A_14, %dma_start3A_81, %dma_start3A_82] : memref<256x16x64xf32, #tpu.memory_space<hbm>> -> memref<16x16x64xf32, #tpu.memory_space<hbm>>
      tpu.enqueue_dma source(%dma_start3A_83 : memref<16x16x64xf32, #tpu.memory_space<hbm>>) target(%dma_start3A_80 : memref<16x16x64xf32, #tpu.memory_space<vmem>>) target_semaphore(%dma_start3A_75 : memref<!tpu.dma_semaphore, #tpu.memory_space<semaphore_mem>>)
      %dma_wait3A = arith.constant 0 : i32
      %dma_wait3A_84 = arith.constant 0 : i32
      %dma_wait3A_85 = arith.constant 0 : i32
      %dma_wait3A_86 = arith.constant 0 : i32
      %dma_wait3A_87 = arith.constant 0 : i32
      %dma_wait3A_88 = tpu.memref_slice %arg5[%dma_wait3A, %dma_wait3A_85, %dma_wait3A_86, %dma_wait3A_87] : memref<3x16x16x64xf32, #tpu.memory_space<vmem>> -> memref<1x16x16x64xf32, #tpu.memory_space<vmem>>
      %dma_wait3A_89 = tpu.memref_squeeze %dma_wait3A_88 : memref<1x16x16x64xf32, #tpu.memory_space<vmem>> -> memref<16x16x64xf32, #tpu.memory_space<vmem>>
      %dma_wait3A_90 = arith.constant 0 : i32
      %dma_wait3A_91 = arith.constant 0 : i32
      %dma_wait3A_92 = tpu.memref_slice %arg2[%add3A_10, %dma_wait3A_90, %dma_wait3A_91] : memref<256x16x64xf32, #tpu.memory_space<hbm>> -> memref<16x16x64xf32, #tpu.memory_space<hbm>>
      %dma_wait3A_93 = tpu.memref_slice %arg6[%dma_wait3A_84] : memref<3x!tpu.dma_semaphore, #tpu.memory_space<semaphore_mem>> -> memref<1x!tpu.dma_semaphore, #tpu.memory_space<semaphore_mem>>
      %dma_wait3A_94 = tpu.memref_squeeze %dma_wait3A_93 : memref<1x!tpu.dma_semaphore, #tpu.memory_space<semaphore_mem>> -> memref<!tpu.dma_semaphore, #tpu.memory_space<semaphore_mem>>
      %dma_wait3A_95 = arith.constant 0 : i32
      %dma_wait3A_96 = arith.constant 0 : i32
      %dma_wait3A_97 = arith.constant 0 : i32
      %dma_wait3A_98 = tpu.memref_slice %arg5[%dma_wait3A, %dma_wait3A_95, %dma_wait3A_96, %dma_wait3A_97] : memref<3x16x16x64xf32, #tpu.memory_space<vmem>> -> memref<1x16x16x64xf32, #tpu.memory_space<vmem>>
      %dma_wait3A_99 = tpu.memref_squeeze %dma_wait3A_98 : memref<1x16x16x64xf32, #tpu.memory_space<vmem>> -> memref<16x16x64xf32, #tpu.memory_space<vmem>>
      %dma_wait3A_100 = arith.constant 0 : i32
      %dma_wait3A_101 = arith.constant 0 : i32
      %dma_wait3A_102 = tpu.memref_slice %arg2[%add3A_10, %dma_wait3A_100, %dma_wait3A_101] : memref<256x16x64xf32, #tpu.memory_space<hbm>> -> memref<16x16x64xf32, #tpu.memory_space<hbm>>
      tpu.wait_dma2 semaphore(%dma_wait3A_94 : memref<!tpu.dma_semaphore, #tpu.memory_space<semaphore_mem>>) src(%dma_wait3A_102 : memref<16x16x64xf32, #tpu.memory_space<hbm>>) dst(%dma_wait3A_99 : memref<16x16x64xf32, #tpu.memory_space<vmem>>)
      %add3A_103 = arith.constant 0 : i32
      %add3A_104 = arith.addi %mul3A_2, %add3A_103 : i32
      %dma_start3A_105 = arith.constant 0 : i32
      %dma_start3A_106 = arith.constant 0 : i32
      %dma_start3A_107 = arith.constant 0 : i32
      %dma_start3A_108 = arith.constant 0 : i32
      %dma_start3A_109 = arith.constant 0 : i32
      %dma_start3A_110 = tpu.memref_slice %arg5[%dma_start3A_105, %dma_start3A_107, %dma_start3A_108, %dma_start3A_109] : memref<3x16x16x64xf32, #tpu.memory_space<vmem>> -> memref<1x16x16x64xf32, #tpu.memory_space<vmem>>
      %dma_start3A_111 = tpu.memref_squeeze %dma_start3A_110 : memref<1x16x16x64xf32, #tpu.memory_space<vmem>> -> memref<16x16x64xf32, #tpu.memory_space<vmem>>
      %dma_start3A_112 = arith.constant 0 : i32
      %dma_start3A_113 = arith.constant 0 : i32
      %dma_start3A_114 = tpu.memref_slice %arg4[%add3A_104, %dma_start3A_112, %dma_start3A_113] : memref<4096x16x64xf32, #tpu.memory_space<hbm>> -> memref<16x16x64xf32, #tpu.memory_space<hbm>>
      %dma_start3A_115 = tpu.memref_slice %arg7[%dma_start3A_106] : memref<3x!tpu.dma_semaphore, #tpu.memory_space<semaphore_mem>> -> memref<1x!tpu.dma_semaphore, #tpu.memory_space<semaphore_mem>>
      %dma_start3A_116 = tpu.memref_squeeze %dma_start3A_115 : memref<1x!tpu.dma_semaphore, #tpu.memory_space<semaphore_mem>> -> memref<!tpu.dma_semaphore, #tpu.memory_space<semaphore_mem>>
      %dma_start3A_117 = arith.constant 0 : i32
      %dma_start3A_118 = arith.constant 0 : i32
      %dma_start3A_119 = tpu.memref_slice %arg4[%add3A_104, %dma_start3A_117, %dma_start3A_118] : memref<4096x16x64xf32, #tpu.memory_space<hbm>> -> memref<16x16x64xf32, #tpu.memory_space<hbm>>
      %dma_start3A_120 = arith.constant 0 : i32
      %dma_start3A_121 = arith.constant 0 : i32
      %dma_start3A_122 = arith.constant 0 : i32
      %dma_start3A_123 = tpu.memref_slice %arg5[%dma_start3A_105, %dma_start3A_120, %dma_start3A_121, %dma_start3A_122] : memref<3x16x16x64xf32, #tpu.memory_space<vmem>> -> memref<1x16x16x64xf32, #tpu.memory_space<vmem>>
      %dma_start3A_124 = tpu.memref_squeeze %dma_start3A_123 : memref<1x16x16x64xf32, #tpu.memory_space<vmem>> -> memref<16x16x64xf32, #tpu.memory_space<vmem>>
      tpu.enqueue_dma source(%dma_start3A_124 : memref<16x16x64xf32, #tpu.memory_space<vmem>>) target(%dma_start3A_119 : memref<16x16x64xf32, #tpu.memory_space<hbm>>) target_semaphore(%dma_start3A_116 : memref<!tpu.dma_semaphore, #tpu.memory_space<semaphore_mem>>)
      %dma_wait3A_125 = arith.constant 0 : i32
      %dma_wait3A_126 = arith.constant 0 : i32
      %dma_wait3A_127 = arith.constant 0 : i32
      %dma_wait3A_128 = arith.constant 0 : i32
      %dma_wait3A_129 = arith.constant 0 : i32
      %dma_wait3A_130 = tpu.memref_slice %arg5[%dma_wait3A_125, %dma_wait3A_127, %dma_wait3A_128, %dma_wait3A_129] : memref<3x16x16x64xf32, #tpu.memory_space<vmem>> -> memref<1x16x16x64xf32, #tpu.memory_space<vmem>>
      %dma_wait3A_131 = tpu.memref_squeeze %dma_wait3A_130 : memref<1x16x16x64xf32, #tpu.memory_space<vmem>> -> memref<16x16x64xf32, #tpu.memory_space<vmem>>
      %dma_wait3A_132 = arith.constant 0 : i32
      %dma_wait3A_133 = arith.constant 0 : i32
      %dma_wait3A_134 = tpu.memref_slice %arg4[%add3A_104, %dma_wait3A_132, %dma_wait3A_133] : memref<4096x16x64xf32, #tpu.memory_space<hbm>> -> memref<16x16x64xf32, #tpu.memory_space<hbm>>
      %dma_wait3A_135 = tpu.memref_slice %arg7[%dma_wait3A_126] : memref<3x!tpu.dma_semaphore, #tpu.memory_space<semaphore_mem>> -> memref<1x!tpu.dma_semaphore, #tpu.memory_space<semaphore_mem>>
      %dma_wait3A_136 = tpu.memref_squeeze %dma_wait3A_135 : memref<1x!tpu.dma_semaphore, #tpu.memory_space<semaphore_mem>> -> memref<!tpu.dma_semaphore, #tpu.memory_space<semaphore_mem>>
      %dma_wait3A_137 = arith.constant 0 : i32
      %dma_wait3A_138 = arith.constant 0 : i32
      %dma_wait3A_139 = tpu.memref_slice %arg4[%add3A_104, %dma_wait3A_137, %dma_wait3A_138] : memref<4096x16x64xf32, #tpu.memory_space<hbm>> -> memref<16x16x64xf32, #tpu.memory_space<hbm>>
      %dma_wait3A_140 = arith.constant 0 : i32
      %dma_wait3A_141 = arith.constant 0 : i32
      %dma_wait3A_142 = arith.constant 0 : i32
      %dma_wait3A_143 = tpu.memref_slice %arg5[%dma_wait3A_125, %dma_wait3A_140, %dma_wait3A_141, %dma_wait3A_142] : memref<3x16x16x64xf32, #tpu.memory_space<vmem>> -> memref<1x16x16x64xf32, #tpu.memory_space<vmem>>
      %dma_wait3A_144 = tpu.memref_squeeze %dma_wait3A_143 : memref<1x16x16x64xf32, #tpu.memory_space<vmem>> -> memref<16x16x64xf32, #tpu.memory_space<vmem>>
      tpu.wait_dma2 semaphore(%dma_wait3A_136 : memref<!tpu.dma_semaphore, #tpu.memory_space<semaphore_mem>>) src(%dma_wait3A_144 : memref<16x16x64xf32, #tpu.memory_space<vmem>>) dst(%dma_wait3A_139 : memref<16x16x64xf32, #tpu.memory_space<hbm>>)
      %dma_start3A_145 = arith.constant 0 : i32
      %dma_start3A_146 = arith.constant 0 : i32
      %dma_start3A_147 = arith.constant 0 : i32
      %dma_start3A_148 = arith.constant 0 : i32
      %dma_start3A_149 = arith.constant 0 : i32
      %dma_start3A_150 = tpu.memref_slice %arg5[%dma_start3A_145, %dma_start3A_147, %dma_start3A_148, %dma_start3A_149] : memref<3x16x16x64xf32, #tpu.memory_space<vmem>> -> memref<1x16x16x64xf32, #tpu.memory_space<vmem>>
      %dma_start3A_151 = tpu.memref_squeeze %dma_start3A_150 : memref<1x16x16x64xf32, #tpu.memory_space<vmem>> -> memref<16x16x64xf32, #tpu.memory_space<vmem>>
      %dma_start3A_152 = arith.constant 0 : i32
      %dma_start3A_153 = arith.constant 0 : i32
      %dma_start3A_154 = tpu.memref_slice %arg2[%add3A_16, %dma_start3A_152, %dma_start3A_153] : memref<256x16x64xf32, #tpu.memory_space<hbm>> -> memref<16x16x64xf32, #tpu.memory_space<hbm>>
      %dma_start3A_155 = tpu.memref_slice %arg6[%dma_start3A_146] : memref<3x!tpu.dma_semaphore, #tpu.memory_space<semaphore_mem>> -> memref<1x!tpu.dma_semaphore, #tpu.memory_space<semaphore_mem>>
      %dma_start3A_156 = tpu.memref_squeeze %dma_start3A_155 : memref<1x!tpu.dma_semaphore, #tpu.memory_space<semaphore_mem>> -> memref<!tpu.dma_semaphore, #tpu.memory_space<semaphore_mem>>
      %dma_start3A_157 = arith.constant 0 : i32
      %dma_start3A_158 = arith.constant 0 : i32
      %dma_start3A_159 = arith.constant 0 : i32
      %dma_start3A_160 = tpu.memref_slice %arg5[%dma_start3A_145, %dma_start3A_157, %dma_start3A_158, %dma_start3A_159] : memref<3x16x16x64xf32, #tpu.memory_space<vmem>> -> memref<1x16x16x64xf32, #tpu.memory_space<vmem>>
      %dma_start3A_161 = tpu.memref_squeeze %dma_start3A_160 : memref<1x16x16x64xf32, #tpu.memory_space<vmem>> -> memref<16x16x64xf32, #tpu.memory_space<vmem>>
      %dma_start3A_162 = arith.constant 0 : i32
      %dma_start3A_163 = arith.constant 0 : i32
      %dma_start3A_164 = tpu.memref_slice %arg2[%add3A_16, %dma_start3A_162, %dma_start3A_163] : memref<256x16x64xf32, #tpu.memory_space<hbm>> -> memref<16x16x64xf32, #tpu.memory_space<hbm>>
      tpu.enqueue_dma source(%dma_start3A_164 : memref<16x16x64xf32, #tpu.memory_space<hbm>>) target(%dma_start3A_161 : memref<16x16x64xf32, #tpu.memory_space<vmem>>) target_semaphore(%dma_start3A_156 : memref<!tpu.dma_semaphore, #tpu.memory_space<semaphore_mem>>)
      %dma_wait3A_165 = arith.constant 1 : i32
      %dma_wait3A_166 = arith.constant 1 : i32
      %dma_wait3A_167 = arith.constant 0 : i32
      %dma_wait3A_168 = arith.constant 0 : i32
      %dma_wait3A_169 = arith.constant 0 : i32
      %dma_wait3A_170 = tpu.memref_slice %arg5[%dma_wait3A_165, %dma_wait3A_167, %dma_wait3A_168, %dma_wait3A_169] : memref<3x16x16x64xf32, #tpu.memory_space<vmem>> -> memref<1x16x16x64xf32, #tpu.memory_space<vmem>>
      %dma_wait3A_171 = tpu.memref_squeeze %dma_wait3A_170 : memref<1x16x16x64xf32, #tpu.memory_space<vmem>> -> memref<16x16x64xf32, #tpu.memory_space<vmem>>
      %dma_wait3A_172 = arith.constant 0 : i32
      %dma_wait3A_173 = arith.constant 0 : i32
      %dma_wait3A_174 = tpu.memref_slice %arg2[%add3A_12, %dma_wait3A_172, %dma_wait3A_173] : memref<256x16x64xf32, #tpu.memory_space<hbm>> -> memref<16x16x64xf32, #tpu.memory_space<hbm>>
      %dma_wait3A_175 = tpu.memref_slice %arg6[%dma_wait3A_166] : memref<3x!tpu.dma_semaphore, #tpu.memory_space<semaphore_mem>> -> memref<1x!tpu.dma_semaphore, #tpu.memory_space<semaphore_mem>>
      %dma_wait3A_176 = tpu.memref_squeeze %dma_wait3A_175 : memref<1x!tpu.dma_semaphore, #tpu.memory_space<semaphore_mem>> -> memref<!tpu.dma_semaphore, #tpu.memory_space<semaphore_mem>>
      %dma_wait3A_177 = arith.constant 0 : i32
      %dma_wait3A_178 = arith.constant 0 : i32
      %dma_wait3A_179 = arith.constant 0 : i32
      %dma_wait3A_180 = tpu.memref_slice %arg5[%dma_wait3A_165, %dma_wait3A_177, %dma_wait3A_178, %dma_wait3A_179] : memref<3x16x16x64xf32, #tpu.memory_space<vmem>> -> memref<1x16x16x64xf32, #tpu.memory_space<vmem>>
      %dma_wait3A_181 = tpu.memref_squeeze %dma_wait3A_180 : memref<1x16x16x64xf32, #tpu.memory_space<vmem>> -> memref<16x16x64xf32, #tpu.memory_space<vmem>>
      %dma_wait3A_182 = arith.constant 0 : i32
      %dma_wait3A_183 = arith.constant 0 : i32
      %dma_wait3A_184 = tpu.memref_slice %arg2[%add3A_12, %dma_wait3A_182, %dma_wait3A_183] : memref<256x16x64xf32, #tpu.memory_space<hbm>> -> memref<16x16x64xf32, #tpu.memory_space<hbm>>
      tpu.wait_dma2 semaphore(%dma_wait3A_176 : memref<!tpu.dma_semaphore, #tpu.memory_space<semaphore_mem>>) src(%dma_wait3A_184 : memref<16x16x64xf32, #tpu.memory_space<hbm>>) dst(%dma_wait3A_181 : memref<16x16x64xf32, #tpu.memory_space<vmem>>)
      %add3A_185 = arith.constant 16 : i32
      %add3A_186 = arith.addi %mul3A_2, %add3A_185 : i32
      %dma_start3A_187 = arith.constant 1 : i32
      %dma_start3A_188 = arith.constant 1 : i32
      %dma_start3A_189 = arith.constant 0 : i32
      %dma_start3A_190 = arith.constant 0 : i32
      %dma_start3A_191 = arith.constant 0 : i32
      %dma_start3A_192 = tpu.memref_slice %arg5[%dma_start3A_187, %dma_start3A_189, %dma_start3A_190, %dma_start3A_191] : memref<3x16x16x64xf32, #tpu.memory_space<vmem>> -> memref<1x16x16x64xf32, #tpu.memory_space<vmem>>
      %dma_start3A_193 = tpu.memref_squeeze %dma_start3A_192 : memref<1x16x16x64xf32, #tpu.memory_space<vmem>> -> memref<16x16x64xf32, #tpu.memory_space<vmem>>
      %dma_start3A_194 = arith.constant 0 : i32
      %dma_start3A_195 = arith.constant 0 : i32
      %dma_start3A_196 = tpu.memref_slice %arg4[%add3A_186, %dma_start3A_194, %dma_start3A_195] : memref<4096x16x64xf32, #tpu.memory_space<hbm>> -> memref<16x16x64xf32, #tpu.memory_space<hbm>>
      %dma_start3A_197 = tpu.memref_slice %arg7[%dma_start3A_188] : memref<3x!tpu.dma_semaphore, #tpu.memory_space<semaphore_mem>> -> memref<1x!tpu.dma_semaphore, #tpu.memory_space<semaphore_mem>>
      %dma_start3A_198 = tpu.memref_squeeze %dma_start3A_197 : memref<1x!tpu.dma_semaphore, #tpu.memory_space<semaphore_mem>> -> memref<!tpu.dma_semaphore, #tpu.memory_space<semaphore_mem>>
      %dma_start3A_199 = arith.constant 0 : i32
      %dma_start3A_200 = arith.constant 0 : i32
      %dma_start3A_201 = tpu.memref_slice %arg4[%add3A_186, %dma_start3A_199, %dma_start3A_200] : memref<4096x16x64xf32, #tpu.memory_space<hbm>> -> memref<16x16x64xf32, #tpu.memory_space<hbm>>
      %dma_start3A_202 = arith.constant 0 : i32
      %dma_start3A_203 = arith.constant 0 : i32
      %dma_start3A_204 = arith.constant 0 : i32
      %dma_start3A_205 = tpu.memref_slice %arg5[%dma_start3A_187, %dma_start3A_202, %dma_start3A_203, %dma_start3A_204] : memref<3x16x16x64xf32, #tpu.memory_space<vmem>> -> memref<1x16x16x64xf32, #tpu.memory_space<vmem>>
      %dma_start3A_206 = tpu.memref_squeeze %dma_start3A_205 : memref<1x16x16x64xf32, #tpu.memory_space<vmem>> -> memref<16x16x64xf32, #tpu.memory_space<vmem>>
      tpu.enqueue_dma source(%dma_start3A_206 : memref<16x16x64xf32, #tpu.memory_space<vmem>>) target(%dma_start3A_201 : memref<16x16x64xf32, #tpu.memory_space<hbm>>) target_semaphore(%dma_start3A_198 : memref<!tpu.dma_semaphore, #tpu.memory_space<semaphore_mem>>)
      %dma_wait3A_207 = arith.constant 1 : i32
      %dma_wait3A_208 = arith.constant 1 : i32
      %dma_wait3A_209 = arith.constant 0 : i32
      %dma_wait3A_210 = arith.constant 0 : i32
      %dma_wait3A_211 = arith.constant 0 : i32
      %dma_wait3A_212 = tpu.memref_slice %arg5[%dma_wait3A_207, %dma_wait3A_209, %dma_wait3A_210, %dma_wait3A_211] : memref<3x16x16x64xf32, #tpu.memory_space<vmem>> -> memref<1x16x16x64xf32, #tpu.memory_space<vmem>>
      %dma_wait3A_213 = tpu.memref_squeeze %dma_wait3A_212 : memref<1x16x16x64xf32, #tpu.memory_space<vmem>> -> memref<16x16x64xf32, #tpu.memory_space<vmem>>
      %dma_wait3A_214 = arith.constant 0 : i32
      %dma_wait3A_215 = arith.constant 0 : i32
      %dma_wait3A_216 = tpu.memref_slice %arg4[%add3A_186, %dma_wait3A_214, %dma_wait3A_215] : memref<4096x16x64xf32, #tpu.memory_space<hbm>> -> memref<16x16x64xf32, #tpu.memory_space<hbm>>
      %dma_wait3A_217 = tpu.memref_slice %arg7[%dma_wait3A_208] : memref<3x!tpu.dma_semaphore, #tpu.memory_space<semaphore_mem>> -> memref<1x!tpu.dma_semaphore, #tpu.memory_space<semaphore_mem>>
      %dma_wait3A_218 = tpu.memref_squeeze %dma_wait3A_217 : memref<1x!tpu.dma_semaphore, #tpu.memory_space<semaphore_mem>> -> memref<!tpu.dma_semaphore, #tpu.memory_space<semaphore_mem>>
      %dma_wait3A_219 = arith.constant 0 : i32
      %dma_wait3A_220 = arith.constant 0 : i32
      %dma_wait3A_221 = tpu.memref_slice %arg4[%add3A_186, %dma_wait3A_219, %dma_wait3A_220] : memref<4096x16x64xf32, #tpu.memory_space<hbm>> -> memref<16x16x64xf32, #tpu.memory_space<hbm>>
      %dma_wait3A_222 = arith.constant 0 : i32
      %dma_wait3A_223 = arith.constant 0 : i32
      %dma_wait3A_224 = arith.constant 0 : i32
      %dma_wait3A_225 = tpu.memref_slice %arg5[%dma_wait3A_207, %dma_wait3A_222, %dma_wait3A_223, %dma_wait3A_224] : memref<3x16x16x64xf32, #tpu.memory_space<vmem>> -> memref<1x16x16x64xf32, #tpu.memory_space<vmem>>
      %dma_wait3A_226 = tpu.memref_squeeze %dma_wait3A_225 : memref<1x16x16x64xf32, #tpu.memory_space<vmem>> -> memref<16x16x64xf32, #tpu.memory_space<vmem>>
      tpu.wait_dma2 semaphore(%dma_wait3A_218 : memref<!tpu.dma_semaphore, #tpu.memory_space<semaphore_mem>>) src(%dma_wait3A_226 : memref<16x16x64xf32, #tpu.memory_space<vmem>>) dst(%dma_wait3A_221 : memref<16x16x64xf32, #tpu.memory_space<hbm>>)
      %dma_start3A_227 = arith.constant 1 : i32
      %dma_start3A_228 = arith.constant 1 : i32
      %dma_start3A_229 = arith.constant 0 : i32
      %dma_start3A_230 = arith.constant 0 : i32
      %dma_start3A_231 = arith.constant 0 : i32
      %dma_start3A_232 = tpu.memref_slice %arg5[%dma_start3A_227, %dma_start3A_229, %dma_start3A_230, %dma_start3A_231] : memref<3x16x16x64xf32, #tpu.memory_space<vmem>> -> memref<1x16x16x64xf32, #tpu.memory_space<vmem>>
      %dma_start3A_233 = tpu.memref_squeeze %dma_start3A_232 : memref<1x16x16x64xf32, #tpu.memory_space<vmem>> -> memref<16x16x64xf32, #tpu.memory_space<vmem>>
      %dma_start3A_234 = arith.constant 0 : i32
      %dma_start3A_235 = arith.constant 0 : i32
      %dma_start3A_236 = tpu.memref_slice %arg2[%add3A_18, %dma_start3A_234, %dma_start3A_235] : memref<256x16x64xf32, #tpu.memory_space<hbm>> -> memref<16x16x64xf32, #tpu.memory_space<hbm>>
      %dma_start3A_237 = tpu.memref_slice %arg6[%dma_start3A_228] : memref<3x!tpu.dma_semaphore, #tpu.memory_space<semaphore_mem>> -> memref<1x!tpu.dma_semaphore, #tpu.memory_space<semaphore_mem>>
      %dma_start3A_238 = tpu.memref_squeeze %dma_start3A_237 : memref<1x!tpu.dma_semaphore, #tpu.memory_space<semaphore_mem>> -> memref<!tpu.dma_semaphore, #tpu.memory_space<semaphore_mem>>
      %dma_start3A_239 = arith.constant 0 : i32
      %dma_start3A_240 = arith.constant 0 : i32
      %dma_start3A_241 = arith.constant 0 : i32
      %dma_start3A_242 = tpu.memref_slice %arg5[%dma_start3A_227, %dma_start3A_239, %dma_start3A_240, %dma_start3A_241] : memref<3x16x16x64xf32, #tpu.memory_space<vmem>> -> memref<1x16x16x64xf32, #tpu.memory_space<vmem>>
      %dma_start3A_243 = tpu.memref_squeeze %dma_start3A_242 : memref<1x16x16x64xf32, #tpu.memory_space<vmem>> -> memref<16x16x64xf32, #tpu.memory_space<vmem>>
      %dma_start3A_244 = arith.constant 0 : i32
      %dma_start3A_245 = arith.constant 0 : i32
      %dma_start3A_246 = tpu.memref_slice %arg2[%add3A_18, %dma_start3A_244, %dma_start3A_245] : memref<256x16x64xf32, #tpu.memory_space<hbm>> -> memref<16x16x64xf32, #tpu.memory_space<hbm>>
      tpu.enqueue_dma source(%dma_start3A_246 : memref<16x16x64xf32, #tpu.memory_space<hbm>>) target(%dma_start3A_243 : memref<16x16x64xf32, #tpu.memory_space<vmem>>) target_semaphore(%dma_start3A_238 : memref<!tpu.dma_semaphore, #tpu.memory_space<semaphore_mem>>)
      %dma_wait3A_247 = arith.constant 2 : i32
      %dma_wait3A_248 = arith.constant 2 : i32
      %dma_wait3A_249 = arith.constant 0 : i32
      %dma_wait3A_250 = arith.constant 0 : i32
      %dma_wait3A_251 = arith.constant 0 : i32
      %dma_wait3A_252 = tpu.memref_slice %arg5[%dma_wait3A_247, %dma_wait3A_249, %dma_wait3A_250, %dma_wait3A_251] : memref<3x16x16x64xf32, #tpu.memory_space<vmem>> -> memref<1x16x16x64xf32, #tpu.memory_space<vmem>>
      %dma_wait3A_253 = tpu.memref_squeeze %dma_wait3A_252 : memref<1x16x16x64xf32, #tpu.memory_space<vmem>> -> memref<16x16x64xf32, #tpu.memory_space<vmem>>
      %dma_wait3A_254 = arith.constant 0 : i32
      %dma_wait3A_255 = arith.constant 0 : i32
      %dma_wait3A_256 = tpu.memref_slice %arg2[%add3A_14, %dma_wait3A_254, %dma_wait3A_255] : memref<256x16x64xf32, #tpu.memory_space<hbm>> -> memref<16x16x64xf32, #tpu.memory_space<hbm>>
      %dma_wait3A_257 = tpu.memref_slice %arg6[%dma_wait3A_248] : memref<3x!tpu.dma_semaphore, #tpu.memory_space<semaphore_mem>> -> memref<1x!tpu.dma_semaphore, #tpu.memory_space<semaphore_mem>>
      %dma_wait3A_258 = tpu.memref_squeeze %dma_wait3A_257 : memref<1x!tpu.dma_semaphore, #tpu.memory_space<semaphore_mem>> -> memref<!tpu.dma_semaphore, #tpu.memory_space<semaphore_mem>>
      %dma_wait3A_259 = arith.constant 0 : i32
      %dma_wait3A_260 = arith.constant 0 : i32
      %dma_wait3A_261 = arith.constant 0 : i32
      %dma_wait3A_262 = tpu.memref_slice %arg5[%dma_wait3A_247, %dma_wait3A_259, %dma_wait3A_260, %dma_wait3A_261] : memref<3x16x16x64xf32, #tpu.memory_space<vmem>> -> memref<1x16x16x64xf32, #tpu.memory_space<vmem>>
      %dma_wait3A_263 = tpu.memref_squeeze %dma_wait3A_262 : memref<1x16x16x64xf32, #tpu.memory_space<vmem>> -> memref<16x16x64xf32, #tpu.memory_space<vmem>>
      %dma_wait3A_264 = arith.constant 0 : i32
      %dma_wait3A_265 = arith.constant 0 : i32
      %dma_wait3A_266 = tpu.memref_slice %arg2[%add3A_14, %dma_wait3A_264, %dma_wait3A_265] : memref<256x16x64xf32, #tpu.memory_space<hbm>> -> memref<16x16x64xf32, #tpu.memory_space<hbm>>
      tpu.wait_dma2 semaphore(%dma_wait3A_258 : memref<!tpu.dma_semaphore, #tpu.memory_space<semaphore_mem>>) src(%dma_wait3A_266 : memref<16x16x64xf32, #tpu.memory_space<hbm>>) dst(%dma_wait3A_263 : memref<16x16x64xf32, #tpu.memory_space<vmem>>)
      %add3A_267 = arith.constant 32 : i32
      %add3A_268 = arith.addi %mul3A_2, %add3A_267 : i32
      %dma_start3A_269 = arith.constant 2 : i32
      %dma_start3A_270 = arith.constant 2 : i32
      %dma_start3A_271 = arith.constant 0 : i32
      %dma_start3A_272 = arith.constant 0 : i32
      %dma_start3A_273 = arith.constant 0 : i32
      %dma_start3A_274 = tpu.memref_slice %arg5[%dma_start3A_269, %dma_start3A_271, %dma_start3A_272, %dma_start3A_273] : memref<3x16x16x64xf32, #tpu.memory_space<vmem>> -> memref<1x16x16x64xf32, #tpu.memory_space<vmem>>
      %dma_start3A_275 = tpu.memref_squeeze %dma_start3A_274 : memref<1x16x16x64xf32, #tpu.memory_space<vmem>> -> memref<16x16x64xf32, #tpu.memory_space<vmem>>
      %dma_start3A_276 = arith.constant 0 : i32
      %dma_start3A_277 = arith.constant 0 : i32
      %dma_start3A_278 = tpu.memref_slice %arg4[%add3A_268, %dma_start3A_276, %dma_start3A_277] : memref<4096x16x64xf32, #tpu.memory_space<hbm>> -> memref<16x16x64xf32, #tpu.memory_space<hbm>>
      %dma_start3A_279 = tpu.memref_slice %arg7[%dma_start3A_270] : memref<3x!tpu.dma_semaphore, #tpu.memory_space<semaphore_mem>> -> memref<1x!tpu.dma_semaphore, #tpu.memory_space<semaphore_mem>>
      %dma_start3A_280 = tpu.memref_squeeze %dma_start3A_279 : memref<1x!tpu.dma_semaphore, #tpu.memory_space<semaphore_mem>> -> memref<!tpu.dma_semaphore, #tpu.memory_space<semaphore_mem>>
      %dma_start3A_281 = arith.constant 0 : i32
      %dma_start3A_282 = arith.constant 0 : i32
      %dma_start3A_283 = tpu.memref_slice %arg4[%add3A_268, %dma_start3A_281, %dma_start3A_282] : memref<4096x16x64xf32, #tpu.memory_space<hbm>> -> memref<16x16x64xf32, #tpu.memory_space<hbm>>
      %dma_start3A_284 = arith.constant 0 : i32
      %dma_start3A_285 = arith.constant 0 : i32
      %dma_start3A_286 = arith.constant 0 : i32
      %dma_start3A_287 = tpu.memref_slice %arg5[%dma_start3A_269, %dma_start3A_284, %dma_start3A_285, %dma_start3A_286] : memref<3x16x16x64xf32, #tpu.memory_space<vmem>> -> memref<1x16x16x64xf32, #tpu.memory_space<vmem>>
      %dma_start3A_288 = tpu.memref_squeeze %dma_start3A_287 : memref<1x16x16x64xf32, #tpu.memory_space<vmem>> -> memref<16x16x64xf32, #tpu.memory_space<vmem>>
      tpu.enqueue_dma source(%dma_start3A_288 : memref<16x16x64xf32, #tpu.memory_space<vmem>>) target(%dma_start3A_283 : memref<16x16x64xf32, #tpu.memory_space<hbm>>) target_semaphore(%dma_start3A_280 : memref<!tpu.dma_semaphore, #tpu.memory_space<semaphore_mem>>)
      %dma_wait3A_289 = arith.constant 2 : i32
      %dma_wait3A_290 = arith.constant 2 : i32
      %dma_wait3A_291 = arith.constant 0 : i32
      %dma_wait3A_292 = arith.constant 0 : i32
      %dma_wait3A_293 = arith.constant 0 : i32
      %dma_wait3A_294 = tpu.memref_slice %arg5[%dma_wait3A_289, %dma_wait3A_291, %dma_wait3A_292, %dma_wait3A_293] : memref<3x16x16x64xf32, #tpu.memory_space<vmem>> -> memref<1x16x16x64xf32, #tpu.memory_space<vmem>>
      %dma_wait3A_295 = tpu.memref_squeeze %dma_wait3A_294 : memref<1x16x16x64xf32, #tpu.memory_space<vmem>> -> memref<16x16x64xf32, #tpu.memory_space<vmem>>
      %dma_wait3A_296 = arith.constant 0 : i32
      %dma_wait3A_297 = arith.constant 0 : i32
      %dma_wait3A_298 = tpu.memref_slice %arg4[%add3A_268, %dma_wait3A_296, %dma_wait3A_297] : memref<4096x16x64xf32, #tpu.memory_space<hbm>> -> memref<16x16x64xf32, #tpu.memory_space<hbm>>
      %dma_wait3A_299 = tpu.memref_slice %arg7[%dma_wait3A_290] : memref<3x!tpu.dma_semaphore, #tpu.memory_space<semaphore_mem>> -> memref<1x!tpu.dma_semaphore, #tpu.memory_space<semaphore_mem>>
      %dma_wait3A_300 = tpu.memref_squeeze %dma_wait3A_299 : memref<1x!tpu.dma_semaphore, #tpu.memory_space<semaphore_mem>> -> memref<!tpu.dma_semaphore, #tpu.memory_space<semaphore_mem>>
      %dma_wait3A_301 = arith.constant 0 : i32
      %dma_wait3A_302 = arith.constant 0 : i32
      %dma_wait3A_303 = tpu.memref_slice %arg4[%add3A_268, %dma_wait3A_301, %dma_wait3A_302] : memref<4096x16x64xf32, #tpu.memory_space<hbm>> -> memref<16x16x64xf32, #tpu.memory_space<hbm>>
      %dma_wait3A_304 = arith.constant 0 : i32
      %dma_wait3A_305 = arith.constant 0 : i32
      %dma_wait3A_306 = arith.constant 0 : i32
      %dma_wait3A_307 = tpu.memref_slice %arg5[%dma_wait3A_289, %dma_wait3A_304, %dma_wait3A_305, %dma_wait3A_306] : memref<3x16x16x64xf32, #tpu.memory_space<vmem>> -> memref<1x16x16x64xf32, #tpu.memory_space<vmem>>
      %dma_wait3A_308 = tpu.memref_squeeze %dma_wait3A_307 : memref<1x16x16x64xf32, #tpu.memory_space<vmem>> -> memref<16x16x64xf32, #tpu.memory_space<vmem>>
      tpu.wait_dma2 semaphore(%dma_wait3A_300 : memref<!tpu.dma_semaphore, #tpu.memory_space<semaphore_mem>>) src(%dma_wait3A_308 : memref<16x16x64xf32, #tpu.memory_space<vmem>>) dst(%dma_wait3A_303 : memref<16x16x64xf32, #tpu.memory_space<hbm>>)
      %dma_start3A_309 = arith.constant 2 : i32
      %dma_start3A_310 = arith.constant 2 : i32
      %dma_start3A_311 = arith.constant 0 : i32
      %dma_start3A_312 = arith.constant 0 : i32
      %dma_start3A_313 = arith.constant 0 : i32
      %dma_start3A_314 = tpu.memref_slice %arg5[%dma_start3A_309, %dma_start3A_311, %dma_start3A_312, %dma_start3A_313] : memref<3x16x16x64xf32, #tpu.memory_space<vmem>> -> memref<1x16x16x64xf32, #tpu.memory_space<vmem>>
      %dma_start3A_315 = tpu.memref_squeeze %dma_start3A_314 : memref<1x16x16x64xf32, #tpu.memory_space<vmem>> -> memref<16x16x64xf32, #tpu.memory_space<vmem>>
      %dma_start3A_316 = arith.constant 0 : i32
      %dma_start3A_317 = arith.constant 0 : i32
      %dma_start3A_318 = tpu.memref_slice %arg2[%add3A_20, %dma_start3A_316, %dma_start3A_317] : memref<256x16x64xf32, #tpu.memory_space<hbm>> -> memref<16x16x64xf32, #tpu.memory_space<hbm>>
      %dma_start3A_319 = tpu.memref_slice %arg6[%dma_start3A_310] : memref<3x!tpu.dma_semaphore, #tpu.memory_space<semaphore_mem>> -> memref<1x!tpu.dma_semaphore, #tpu.memory_space<semaphore_mem>>
      %dma_start3A_320 = tpu.memref_squeeze %dma_start3A_319 : memref<1x!tpu.dma_semaphore, #tpu.memory_space<semaphore_mem>> -> memref<!tpu.dma_semaphore, #tpu.memory_space<semaphore_mem>>
      %dma_start3A_321 = arith.constant 0 : i32
      %dma_start3A_322 = arith.constant 0 : i32
      %dma_start3A_323 = arith.constant 0 : i32
      %dma_start3A_324 = tpu.memref_slice %arg5[%dma_start3A_309, %dma_start3A_321, %dma_start3A_322, %dma_start3A_323] : memref<3x16x16x64xf32, #tpu.memory_space<vmem>> -> memref<1x16x16x64xf32, #tpu.memory_space<vmem>>
      %dma_start3A_325 = tpu.memref_squeeze %dma_start3A_324 : memref<1x16x16x64xf32, #tpu.memory_space<vmem>> -> memref<16x16x64xf32, #tpu.memory_space<vmem>>
      %dma_start3A_326 = arith.constant 0 : i32
      %dma_start3A_327 = arith.constant 0 : i32
      %dma_start3A_328 = tpu.memref_slice %arg2[%add3A_20, %dma_start3A_326, %dma_start3A_327] : memref<256x16x64xf32, #tpu.memory_space<hbm>> -> memref<16x16x64xf32, #tpu.memory_space<hbm>>
      tpu.enqueue_dma source(%dma_start3A_328 : memref<16x16x64xf32, #tpu.memory_space<hbm>>) target(%dma_start3A_325 : memref<16x16x64xf32, #tpu.memory_space<vmem>>) target_semaphore(%dma_start3A_320 : memref<!tpu.dma_semaphore, #tpu.memory_space<semaphore_mem>>)
      %dma_wait3A_329 = arith.constant 0 : i32
      %dma_wait3A_330 = arith.constant 0 : i32
      %dma_wait3A_331 = arith.constant 0 : i32
      %dma_wait3A_332 = arith.constant 0 : i32
      %dma_wait3A_333 = arith.constant 0 : i32
      %dma_wait3A_334 = tpu.memref_slice %arg5[%dma_wait3A_329, %dma_wait3A_331, %dma_wait3A_332, %dma_wait3A_333] : memref<3x16x16x64xf32, #tpu.memory_space<vmem>> -> memref<1x16x16x64xf32, #tpu.memory_space<vmem>>
      %dma_wait3A_335 = tpu.memref_squeeze %dma_wait3A_334 : memref<1x16x16x64xf32, #tpu.memory_space<vmem>> -> memref<16x16x64xf32, #tpu.memory_space<vmem>>
      %dma_wait3A_336 = arith.constant 0 : i32
      %dma_wait3A_337 = arith.constant 0 : i32
      %dma_wait3A_338 = tpu.memref_slice %arg2[%add3A_16, %dma_wait3A_336, %dma_wait3A_337] : memref<256x16x64xf32, #tpu.memory_space<hbm>> -> memref<16x16x64xf32, #tpu.memory_space<hbm>>
      %dma_wait3A_339 = tpu.memref_slice %arg6[%dma_wait3A_330] : memref<3x!tpu.dma_semaphore, #tpu.memory_space<semaphore_mem>> -> memref<1x!tpu.dma_semaphore, #tpu.memory_space<semaphore_mem>>
      %dma_wait3A_340 = tpu.memref_squeeze %dma_wait3A_339 : memref<1x!tpu.dma_semaphore, #tpu.memory_space<semaphore_mem>> -> memref<!tpu.dma_semaphore, #tpu.memory_space<semaphore_mem>>
      %dma_wait3A_341 = arith.constant 0 : i32
      %dma_wait3A_342 = arith.constant 0 : i32
      %dma_wait3A_343 = arith.constant 0 : i32
      %dma_wait3A_344 = tpu.memref_slice %arg5[%dma_wait3A_329, %dma_wait3A_341, %dma_wait3A_342, %dma_wait3A_343] : memref<3x16x16x64xf32, #tpu.memory_space<vmem>> -> memref<1x16x16x64xf32, #tpu.memory_space<vmem>>
      %dma_wait3A_345 = tpu.memref_squeeze %dma_wait3A_344 : memref<1x16x16x64xf32, #tpu.memory_space<vmem>> -> memref<16x16x64xf32, #tpu.memory_space<vmem>>
      %dma_wait3A_346 = arith.constant 0 : i32
      %dma_wait3A_347 = arith.constant 0 : i32
      %dma_wait3A_348 = tpu.memref_slice %arg2[%add3A_16, %dma_wait3A_346, %dma_wait3A_347] : memref<256x16x64xf32, #tpu.memory_space<hbm>> -> memref<16x16x64xf32, #tpu.memory_space<hbm>>
      tpu.wait_dma2 semaphore(%dma_wait3A_340 : memref<!tpu.dma_semaphore, #tpu.memory_space<semaphore_mem>>) src(%dma_wait3A_348 : memref<16x16x64xf32, #tpu.memory_space<hbm>>) dst(%dma_wait3A_345 : memref<16x16x64xf32, #tpu.memory_space<vmem>>)
      %add3A_349 = arith.constant 48 : i32
      %add3A_350 = arith.addi %mul3A_2, %add3A_349 : i32
      %dma_start3A_351 = arith.constant 0 : i32
      %dma_start3A_352 = arith.constant 0 : i32
      %dma_start3A_353 = arith.constant 0 : i32
      %dma_start3A_354 = arith.constant 0 : i32
      %dma_start3A_355 = arith.constant 0 : i32
      %dma_start3A_356 = tpu.memref_slice %arg5[%dma_start3A_351, %dma_start3A_353, %dma_start3A_354, %dma_start3A_355] : memref<3x16x16x64xf32, #tpu.memory_space<vmem>> -> memref<1x16x16x64xf32, #tpu.memory_space<vmem>>
      %dma_start3A_357 = tpu.memref_squeeze %dma_start3A_356 : memref<1x16x16x64xf32, #tpu.memory_space<vmem>> -> memref<16x16x64xf32, #tpu.memory_space<vmem>>
      %dma_start3A_358 = arith.constant 0 : i32
      %dma_start3A_359 = arith.constant 0 : i32
      %dma_start3A_360 = tpu.memref_slice %arg4[%add3A_350, %dma_start3A_358, %dma_start3A_359] : memref<4096x16x64xf32, #tpu.memory_space<hbm>> -> memref<16x16x64xf32, #tpu.memory_space<hbm>>
      %dma_start3A_361 = tpu.memref_slice %arg7[%dma_start3A_352] : memref<3x!tpu.dma_semaphore, #tpu.memory_space<semaphore_mem>> -> memref<1x!tpu.dma_semaphore, #tpu.memory_space<semaphore_mem>>
      %dma_start3A_362 = tpu.memref_squeeze %dma_start3A_361 : memref<1x!tpu.dma_semaphore, #tpu.memory_space<semaphore_mem>> -> memref<!tpu.dma_semaphore, #tpu.memory_space<semaphore_mem>>
      %dma_start3A_363 = arith.constant 0 : i32
      %dma_start3A_364 = arith.constant 0 : i32
      %dma_start3A_365 = tpu.memref_slice %arg4[%add3A_350, %dma_start3A_363, %dma_start3A_364] : memref<4096x16x64xf32, #tpu.memory_space<hbm>> -> memref<16x16x64xf32, #tpu.memory_space<hbm>>
      %dma_start3A_366 = arith.constant 0 : i32
      %dma_start3A_367 = arith.constant 0 : i32
      %dma_start3A_368 = arith.constant 0 : i32
      %dma_start3A_369 = tpu.memref_slice %arg5[%dma_start3A_351, %dma_start3A_366, %dma_start3A_367, %dma_start3A_368] : memref<3x16x16x64xf32, #tpu.memory_space<vmem>> -> memref<1x16x16x64xf32, #tpu.memory_space<vmem>>
      %dma_start3A_370 = tpu.memref_squeeze %dma_start3A_369 : memref<1x16x16x64xf32, #tpu.memory_space<vmem>> -> memref<16x16x64xf32, #tpu.memory_space<vmem>>
      tpu.enqueue_dma source(%dma_start3A_370 : memref<16x16x64xf32, #tpu.memory_space<vmem>>) target(%dma_start3A_365 : memref<16x16x64xf32, #tpu.memory_space<hbm>>) target_semaphore(%dma_start3A_362 : memref<!tpu.dma_semaphore, #tpu.memory_space<semaphore_mem>>)
      %dma_wait3A_371 = arith.constant 0 : i32
      %dma_wait3A_372 = arith.constant 0 : i32
      %dma_wait3A_373 = arith.constant 0 : i32
      %dma_wait3A_374 = arith.constant 0 : i32
      %dma_wait3A_375 = arith.constant 0 : i32
      %dma_wait3A_376 = tpu.memref_slice %arg5[%dma_wait3A_371, %dma_wait3A_373, %dma_wait3A_374, %dma_wait3A_375] : memref<3x16x16x64xf32, #tpu.memory_space<vmem>> -> memref<1x16x16x64xf32, #tpu.memory_space<vmem>>
      %dma_wait3A_377 = tpu.memref_squeeze %dma_wait3A_376 : memref<1x16x16x64xf32, #tpu.memory_space<vmem>> -> memref<16x16x64xf32, #tpu.memory_space<vmem>>
      %dma_wait3A_378 = arith.constant 0 : i32
      %dma_wait3A_379 = arith.constant 0 : i32
      %dma_wait3A_380 = tpu.memref_slice %arg4[%add3A_350, %dma_wait3A_378, %dma_wait3A_379] : memref<4096x16x64xf32, #tpu.memory_space<hbm>> -> memref<16x16x64xf32, #tpu.memory_space<hbm>>
      %dma_wait3A_381 = tpu.memref_slice %arg7[%dma_wait3A_372] : memref<3x!tpu.dma_semaphore, #tpu.memory_space<semaphore_mem>> -> memref<1x!tpu.dma_semaphore, #tpu.memory_space<semaphore_mem>>
      %dma_wait3A_382 = tpu.memref_squeeze %dma_wait3A_381 : memref<1x!tpu.dma_semaphore, #tpu.memory_space<semaphore_mem>> -> memref<!tpu.dma_semaphore, #tpu.memory_space<semaphore_mem>>
      %dma_wait3A_383 = arith.constant 0 : i32
      %dma_wait3A_384 = arith.constant 0 : i32
      %dma_wait3A_385 = tpu.memref_slice %arg4[%add3A_350, %dma_wait3A_383, %dma_wait3A_384] : memref<4096x16x64xf32, #tpu.memory_space<hbm>> -> memref<16x16x64xf32, #tpu.memory_space<hbm>>
      %dma_wait3A_386 = arith.constant 0 : i32
      %dma_wait3A_387 = arith.constant 0 : i32
      %dma_wait3A_388 = arith.constant 0 : i32
      %dma_wait3A_389 = tpu.memref_slice %arg5[%dma_wait3A_371, %dma_wait3A_386, %dma_wait3A_387, %dma_wait3A_388] : memref<3x16x16x64xf32, #tpu.memory_space<vmem>> -> memref<1x16x16x64xf32, #tpu.memory_space<vmem>>
      %dma_wait3A_390 = tpu.memref_squeeze %dma_wait3A_389 : memref<1x16x16x64xf32, #tpu.memory_space<vmem>> -> memref<16x16x64xf32, #tpu.memory_space<vmem>>
      tpu.wait_dma2 semaphore(%dma_wait3A_382 : memref<!tpu.dma_semaphore, #tpu.memory_space<semaphore_mem>>) src(%dma_wait3A_390 : memref<16x16x64xf32, #tpu.memory_space<vmem>>) dst(%dma_wait3A_385 : memref<16x16x64xf32, #tpu.memory_space<hbm>>)
      %dma_start3A_391 = arith.constant 0 : i32
      %dma_start3A_392 = arith.constant 0 : i32
      %dma_start3A_393 = arith.constant 0 : i32
      %dma_start3A_394 = arith.constant 0 : i32
      %dma_start3A_395 = arith.constant 0 : i32
      %dma_start3A_396 = tpu.memref_slice %arg5[%dma_start3A_391, %dma_start3A_393, %dma_start3A_394, %dma_start3A_395] : memref<3x16x16x64xf32, #tpu.memory_space<vmem>> -> memref<1x16x16x64xf32, #tpu.memory_space<vmem>>
      %dma_start3A_397 = tpu.memref_squeeze %dma_start3A_396 : memref<1x16x16x64xf32, #tpu.memory_space<vmem>> -> memref<16x16x64xf32, #tpu.memory_space<vmem>>
      %dma_start3A_398 = arith.constant 0 : i32
      %dma_start3A_399 = arith.constant 0 : i32
      %dma_start3A_400 = tpu.memref_slice %arg2[%add3A_22, %dma_start3A_398, %dma_start3A_399] : memref<256x16x64xf32, #tpu.memory_space<hbm>> -> memref<16x16x64xf32, #tpu.memory_space<hbm>>
      %dma_start3A_401 = tpu.memref_slice %arg6[%dma_start3A_392] : memref<3x!tpu.dma_semaphore, #tpu.memory_space<semaphore_mem>> -> memref<1x!tpu.dma_semaphore, #tpu.memory_space<semaphore_mem>>
      %dma_start3A_402 = tpu.memref_squeeze %dma_start3A_401 : memref<1x!tpu.dma_semaphore, #tpu.memory_space<semaphore_mem>> -> memref<!tpu.dma_semaphore, #tpu.memory_space<semaphore_mem>>
      %dma_start3A_403 = arith.constant 0 : i32
      %dma_start3A_404 = arith.constant 0 : i32
      %dma_start3A_405 = arith.constant 0 : i32
      %dma_start3A_406 = tpu.memref_slice %arg5[%dma_start3A_391, %dma_start3A_403, %dma_start3A_404, %dma_start3A_405] : memref<3x16x16x64xf32, #tpu.memory_space<vmem>> -> memref<1x16x16x64xf32, #tpu.memory_space<vmem>>
      %dma_start3A_407 = tpu.memref_squeeze %dma_start3A_406 : memref<1x16x16x64xf32, #tpu.memory_space<vmem>> -> memref<16x16x64xf32, #tpu.memory_space<vmem>>
      %dma_start3A_408 = arith.constant 0 : i32
      %dma_start3A_409 = arith.constant 0 : i32
      %dma_start3A_410 = tpu.memref_slice %arg2[%add3A_22, %dma_start3A_408, %dma_start3A_409] : memref<256x16x64xf32, #tpu.memory_space<hbm>> -> memref<16x16x64xf32, #tpu.memory_space<hbm>>
      tpu.enqueue_dma source(%dma_start3A_410 : memref<16x16x64xf32, #tpu.memory_space<hbm>>) target(%dma_start3A_407 : memref<16x16x64xf32, #tpu.memory_space<vmem>>) target_semaphore(%dma_start3A_402 : memref<!tpu.dma_semaphore, #tpu.memory_space<semaphore_mem>>)
      %dma_wait3A_411 = arith.constant 1 : i32
      %dma_wait3A_412 = arith.constant 1 : i32
      %dma_wait3A_413 = arith.constant 0 : i32
      %dma_wait3A_414 = arith.constant 0 : i32
      %dma_wait3A_415 = arith.constant 0 : i32
      %dma_wait3A_416 = tpu.memref_slice %arg5[%dma_wait3A_411, %dma_wait3A_413, %dma_wait3A_414, %dma_wait3A_415] : memref<3x16x16x64xf32, #tpu.memory_space<vmem>> -> memref<1x16x16x64xf32, #tpu.memory_space<vmem>>
      %dma_wait3A_417 = tpu.memref_squeeze %dma_wait3A_416 : memref<1x16x16x64xf32, #tpu.memory_space<vmem>> -> memref<16x16x64xf32, #tpu.memory_space<vmem>>
      %dma_wait3A_418 = arith.constant 0 : i32
      %dma_wait3A_419 = arith.constant 0 : i32
      %dma_wait3A_420 = tpu.memref_slice %arg2[%add3A_18, %dma_wait3A_418, %dma_wait3A_419] : memref<256x16x64xf32, #tpu.memory_space<hbm>> -> memref<16x16x64xf32, #tpu.memory_space<hbm>>
      %dma_wait3A_421 = tpu.memref_slice %arg6[%dma_wait3A_412] : memref<3x!tpu.dma_semaphore, #tpu.memory_space<semaphore_mem>> -> memref<1x!tpu.dma_semaphore, #tpu.memory_space<semaphore_mem>>
      %dma_wait3A_422 = tpu.memref_squeeze %dma_wait3A_421 : memref<1x!tpu.dma_semaphore, #tpu.memory_space<semaphore_mem>> -> memref<!tpu.dma_semaphore, #tpu.memory_space<semaphore_mem>>
      %dma_wait3A_423 = arith.constant 0 : i32
      %dma_wait3A_424 = arith.constant 0 : i32
      %dma_wait3A_425 = arith.constant 0 : i32
      %dma_wait3A_426 = tpu.memref_slice %arg5[%dma_wait3A_411, %dma_wait3A_423, %dma_wait3A_424, %dma_wait3A_425] : memref<3x16x16x64xf32, #tpu.memory_space<vmem>> -> memref<1x16x16x64xf32, #tpu.memory_space<vmem>>
      %dma_wait3A_427 = tpu.memref_squeeze %dma_wait3A_426 : memref<1x16x16x64xf32, #tpu.memory_space<vmem>> -> memref<16x16x64xf32, #tpu.memory_space<vmem>>
      %dma_wait3A_428 = arith.constant 0 : i32
      %dma_wait3A_429 = arith.constant 0 : i32
      %dma_wait3A_430 = tpu.memref_slice %arg2[%add3A_18, %dma_wait3A_428, %dma_wait3A_429] : memref<256x16x64xf32, #tpu.memory_space<hbm>> -> memref<16x16x64xf32, #tpu.memory_space<hbm>>
      tpu.wait_dma2 semaphore(%dma_wait3A_422 : memref<!tpu.dma_semaphore, #tpu.memory_space<semaphore_mem>>) src(%dma_wait3A_430 : memref<16x16x64xf32, #tpu.memory_space<hbm>>) dst(%dma_wait3A_427 : memref<16x16x64xf32, #tpu.memory_space<vmem>>)
      %add3A_431 = arith.constant 64 : i32
      %add3A_432 = arith.addi %mul3A_2, %add3A_431 : i32
      %dma_start3A_433 = arith.constant 1 : i32
      %dma_start3A_434 = arith.constant 1 : i32
      %dma_start3A_435 = arith.constant 0 : i32
      %dma_start3A_436 = arith.constant 0 : i32
      %dma_start3A_437 = arith.constant 0 : i32
      %dma_start3A_438 = tpu.memref_slice %arg5[%dma_start3A_433, %dma_start3A_435, %dma_start3A_436, %dma_start3A_437] : memref<3x16x16x64xf32, #tpu.memory_space<vmem>> -> memref<1x16x16x64xf32, #tpu.memory_space<vmem>>
      %dma_start3A_439 = tpu.memref_squeeze %dma_start3A_438 : memref<1x16x16x64xf32, #tpu.memory_space<vmem>> -> memref<16x16x64xf32, #tpu.memory_space<vmem>>
      %dma_start3A_440 = arith.constant 0 : i32
      %dma_start3A_441 = arith.constant 0 : i32
      %dma_start3A_442 = tpu.memref_slice %arg4[%add3A_432, %dma_start3A_440, %dma_start3A_441] : memref<4096x16x64xf32, #tpu.memory_space<hbm>> -> memref<16x16x64xf32, #tpu.memory_space<hbm>>
      %dma_start3A_443 = tpu.memref_slice %arg7[%dma_start3A_434] : memref<3x!tpu.dma_semaphore, #tpu.memory_space<semaphore_mem>> -> memref<1x!tpu.dma_semaphore, #tpu.memory_space<semaphore_mem>>
      %dma_start3A_444 = tpu.memref_squeeze %dma_start3A_443 : memref<1x!tpu.dma_semaphore, #tpu.memory_space<semaphore_mem>> -> memref<!tpu.dma_semaphore, #tpu.memory_space<semaphore_mem>>
      %dma_start3A_445 = arith.constant 0 : i32
      %dma_start3A_446 = arith.constant 0 : i32
      %dma_start3A_447 = tpu.memref_slice %arg4[%add3A_432, %dma_start3A_445, %dma_start3A_446] : memref<4096x16x64xf32, #tpu.memory_space<hbm>> -> memref<16x16x64xf32, #tpu.memory_space<hbm>>
      %dma_start3A_448 = arith.constant 0 : i32
      %dma_start3A_449 = arith.constant 0 : i32
      %dma_start3A_450 = arith.constant 0 : i32
      %dma_start3A_451 = tpu.memref_slice %arg5[%dma_start3A_433, %dma_start3A_448, %dma_start3A_449, %dma_start3A_450] : memref<3x16x16x64xf32, #tpu.memory_space<vmem>> -> memref<1x16x16x64xf32, #tpu.memory_space<vmem>>
      %dma_start3A_452 = tpu.memref_squeeze %dma_start3A_451 : memref<1x16x16x64xf32, #tpu.memory_space<vmem>> -> memref<16x16x64xf32, #tpu.memory_space<vmem>>
      tpu.enqueue_dma source(%dma_start3A_452 : memref<16x16x64xf32, #tpu.memory_space<vmem>>) target(%dma_start3A_447 : memref<16x16x64xf32, #tpu.memory_space<hbm>>) target_semaphore(%dma_start3A_444 : memref<!tpu.dma_semaphore, #tpu.memory_space<semaphore_mem>>)
      %dma_wait3A_453 = arith.constant 1 : i32
      %dma_wait3A_454 = arith.constant 1 : i32
      %dma_wait3A_455 = arith.constant 0 : i32
      %dma_wait3A_456 = arith.constant 0 : i32
      %dma_wait3A_457 = arith.constant 0 : i32
      %dma_wait3A_458 = tpu.memref_slice %arg5[%dma_wait3A_453, %dma_wait3A_455, %dma_wait3A_456, %dma_wait3A_457] : memref<3x16x16x64xf32, #tpu.memory_space<vmem>> -> memref<1x16x16x64xf32, #tpu.memory_space<vmem>>
      %dma_wait3A_459 = tpu.memref_squeeze %dma_wait3A_458 : memref<1x16x16x64xf32, #tpu.memory_space<vmem>> -> memref<16x16x64xf32, #tpu.memory_space<vmem>>
      %dma_wait3A_460 = arith.constant 0 : i32
      %dma_wait3A_461 = arith.constant 0 : i32
      %dma_wait3A_462 = tpu.memref_slice %arg4[%add3A_432, %dma_wait3A_460, %dma_wait3A_461] : memref<4096x16x64xf32, #tpu.memory_space<hbm>> -> memref<16x16x64xf32, #tpu.memory_space<hbm>>
      %dma_wait3A_463 = tpu.memref_slice %arg7[%dma_wait3A_454] : memref<3x!tpu.dma_semaphore, #tpu.memory_space<semaphore_mem>> -> memref<1x!tpu.dma_semaphore, #tpu.memory_space<semaphore_mem>>
      %dma_wait3A_464 = tpu.memref_squeeze %dma_wait3A_463 : memref<1x!tpu.dma_semaphore, #tpu.memory_space<semaphore_mem>> -> memref<!tpu.dma_semaphore, #tpu.memory_space<semaphore_mem>>
      %dma_wait3A_465 = arith.constant 0 : i32
      %dma_wait3A_466 = arith.constant 0 : i32
      %dma_wait3A_467 = tpu.memref_slice %arg4[%add3A_432, %dma_wait3A_465, %dma_wait3A_466] : memref<4096x16x64xf32, #tpu.memory_space<hbm>> -> memref<16x16x64xf32, #tpu.memory_space<hbm>>
      %dma_wait3A_468 = arith.constant 0 : i32
      %dma_wait3A_469 = arith.constant 0 : i32
      %dma_wait3A_470 = arith.constant 0 : i32
      %dma_wait3A_471 = tpu.memref_slice %arg5[%dma_wait3A_453, %dma_wait3A_468, %dma_wait3A_469, %dma_wait3A_470] : memref<3x16x16x64xf32, #tpu.memory_space<vmem>> -> memref<1x16x16x64xf32, #tpu.memory_space<vmem>>
      %dma_wait3A_472 = tpu.memref_squeeze %dma_wait3A_471 : memref<1x16x16x64xf32, #tpu.memory_space<vmem>> -> memref<16x16x64xf32, #tpu.memory_space<vmem>>
      tpu.wait_dma2 semaphore(%dma_wait3A_464 : memref<!tpu.dma_semaphore, #tpu.memory_space<semaphore_mem>>) src(%dma_wait3A_472 : memref<16x16x64xf32, #tpu.memory_space<vmem>>) dst(%dma_wait3A_467 : memref<16x16x64xf32, #tpu.memory_space<hbm>>)
      %dma_start3A_473 = arith.constant 1 : i32
      %dma_start3A_474 = arith.constant 1 : i32
      %dma_start3A_475 = arith.constant 0 : i32
      %dma_start3A_476 = arith.constant 0 : i32
      %dma_start3A_477 = arith.constant 0 : i32
      %dma_start3A_478 = tpu.memref_slice %arg5[%dma_start3A_473, %dma_start3A_475, %dma_start3A_476, %dma_start3A_477] : memref<3x16x16x64xf32, #tpu.memory_space<vmem>> -> memref<1x16x16x64xf32, #tpu.memory_space<vmem>>
      %dma_start3A_479 = tpu.memref_squeeze %dma_start3A_478 : memref<1x16x16x64xf32, #tpu.memory_space<vmem>> -> memref<16x16x64xf32, #tpu.memory_space<vmem>>
      %dma_start3A_480 = arith.constant 0 : i32
      %dma_start3A_481 = arith.constant 0 : i32
      %dma_start3A_482 = tpu.memref_slice %arg2[%add3A_24, %dma_start3A_480, %dma_start3A_481] : memref<256x16x64xf32, #tpu.memory_space<hbm>> -> memref<16x16x64xf32, #tpu.memory_space<hbm>>
      %dma_start3A_483 = tpu.memref_slice %arg6[%dma_start3A_474] : memref<3x!tpu.dma_semaphore, #tpu.memory_space<semaphore_mem>> -> memref<1x!tpu.dma_semaphore, #tpu.memory_space<semaphore_mem>>
      %dma_start3A_484 = tpu.memref_squeeze %dma_start3A_483 : memref<1x!tpu.dma_semaphore, #tpu.memory_space<semaphore_mem>> -> memref<!tpu.dma_semaphore, #tpu.memory_space<semaphore_mem>>
      %dma_start3A_485 = arith.constant 0 : i32
      %dma_start3A_486 = arith.constant 0 : i32
      %dma_start3A_487 = arith.constant 0 : i32
      %dma_start3A_488 = tpu.memref_slice %arg5[%dma_start3A_473, %dma_start3A_485, %dma_start3A_486, %dma_start3A_487] : memref<3x16x16x64xf32, #tpu.memory_space<vmem>> -> memref<1x16x16x64xf32, #tpu.memory_space<vmem>>
      %dma_start3A_489 = tpu.memref_squeeze %dma_start3A_488 : memref<1x16x16x64xf32, #tpu.memory_space<vmem>> -> memref<16x16x64xf32, #tpu.memory_space<vmem>>
      %dma_start3A_490 = arith.constant 0 : i32
      %dma_start3A_491 = arith.constant 0 : i32
      %dma_start3A_492 = tpu.memref_slice %arg2[%add3A_24, %dma_start3A_490, %dma_start3A_491] : memref<256x16x64xf32, #tpu.memory_space<hbm>> -> memref<16x16x64xf32, #tpu.memory_space<hbm>>
      tpu.enqueue_dma source(%dma_start3A_492 : memref<16x16x64xf32, #tpu.memory_space<hbm>>) target(%dma_start3A_489 : memref<16x16x64xf32, #tpu.memory_space<vmem>>) target_semaphore(%dma_start3A_484 : memref<!tpu.dma_semaphore, #tpu.memory_space<semaphore_mem>>)
      %dma_wait3A_493 = arith.constant 2 : i32
      %dma_wait3A_494 = arith.constant 2 : i32
      %dma_wait3A_495 = arith.constant 0 : i32
      %dma_wait3A_496 = arith.constant 0 : i32
      %dma_wait3A_497 = arith.constant 0 : i32
      %dma_wait3A_498 = tpu.memref_slice %arg5[%dma_wait3A_493, %dma_wait3A_495, %dma_wait3A_496, %dma_wait3A_497] : memref<3x16x16x64xf32, #tpu.memory_space<vmem>> -> memref<1x16x16x64xf32, #tpu.memory_space<vmem>>
      %dma_wait3A_499 = tpu.memref_squeeze %dma_wait3A_498 : memref<1x16x16x64xf32, #tpu.memory_space<vmem>> -> memref<16x16x64xf32, #tpu.memory_space<vmem>>
      %dma_wait3A_500 = arith.constant 0 : i32
      %dma_wait3A_501 = arith.constant 0 : i32
      %dma_wait3A_502 = tpu.memref_slice %arg2[%add3A_20, %dma_wait3A_500, %dma_wait3A_501] : memref<256x16x64xf32, #tpu.memory_space<hbm>> -> memref<16x16x64xf32, #tpu.memory_space<hbm>>
      %dma_wait3A_503 = tpu.memref_slice %arg6[%dma_wait3A_494] : memref<3x!tpu.dma_semaphore, #tpu.memory_space<semaphore_mem>> -> memref<1x!tpu.dma_semaphore, #tpu.memory_space<semaphore_mem>>
      %dma_wait3A_504 = tpu.memref_squeeze %dma_wait3A_503 : memref<1x!tpu.dma_semaphore, #tpu.memory_space<semaphore_mem>> -> memref<!tpu.dma_semaphore, #tpu.memory_space<semaphore_mem>>
      %dma_wait3A_505 = arith.constant 0 : i32
      %dma_wait3A_506 = arith.constant 0 : i32
      %dma_wait3A_507 = arith.constant 0 : i32
      %dma_wait3A_508 = tpu.memref_slice %arg5[%dma_wait3A_493, %dma_wait3A_505, %dma_wait3A_506, %dma_wait3A_507] : memref<3x16x16x64xf32, #tpu.memory_space<vmem>> -> memref<1x16x16x64xf32, #tpu.memory_space<vmem>>
      %dma_wait3A_509 = tpu.memref_squeeze %dma_wait3A_508 : memref<1x16x16x64xf32, #tpu.memory_space<vmem>> -> memref<16x16x64xf32, #tpu.memory_space<vmem>>
      %dma_wait3A_510 = arith.constant 0 : i32
      %dma_wait3A_511 = arith.constant 0 : i32
      %dma_wait3A_512 = tpu.memref_slice %arg2[%add3A_20, %dma_wait3A_510, %dma_wait3A_511] : memref<256x16x64xf32, #tpu.memory_space<hbm>> -> memref<16x16x64xf32, #tpu.memory_space<hbm>>
      tpu.wait_dma2 semaphore(%dma_wait3A_504 : memref<!tpu.dma_semaphore, #tpu.memory_space<semaphore_mem>>) src(%dma_wait3A_512 : memref<16x16x64xf32, #tpu.memory_space<hbm>>) dst(%dma_wait3A_509 : memref<16x16x64xf32, #tpu.memory_space<vmem>>)
      %add3A_513 = arith.constant 80 : i32
      %add3A_514 = arith.addi %mul3A_2, %add3A_513 : i32
      %dma_start3A_515 = arith.constant 2 : i32
      %dma_start3A_516 = arith.constant 2 : i32
      %dma_start3A_517 = arith.constant 0 : i32
      %dma_start3A_518 = arith.constant 0 : i32
      %dma_start3A_519 = arith.constant 0 : i32
      %dma_start3A_520 = tpu.memref_slice %arg5[%dma_start3A_515, %dma_start3A_517, %dma_start3A_518, %dma_start3A_519] : memref<3x16x16x64xf32, #tpu.memory_space<vmem>> -> memref<1x16x16x64xf32, #tpu.memory_space<vmem>>
      %dma_start3A_521 = tpu.memref_squeeze %dma_start3A_520 : memref<1x16x16x64xf32, #tpu.memory_space<vmem>> -> memref<16x16x64xf32, #tpu.memory_space<vmem>>
      %dma_start3A_522 = arith.constant 0 : i32
      %dma_start3A_523 = arith.constant 0 : i32
      %dma_start3A_524 = tpu.memref_slice %arg4[%add3A_514, %dma_start3A_522, %dma_start3A_523] : memref<4096x16x64xf32, #tpu.memory_space<hbm>> -> memref<16x16x64xf32, #tpu.memory_space<hbm>>
      %dma_start3A_525 = tpu.memref_slice %arg7[%dma_start3A_516] : memref<3x!tpu.dma_semaphore, #tpu.memory_space<semaphore_mem>> -> memref<1x!tpu.dma_semaphore, #tpu.memory_space<semaphore_mem>>
      %dma_start3A_526 = tpu.memref_squeeze %dma_start3A_525 : memref<1x!tpu.dma_semaphore, #tpu.memory_space<semaphore_mem>> -> memref<!tpu.dma_semaphore, #tpu.memory_space<semaphore_mem>>
      %dma_start3A_527 = arith.constant 0 : i32
      %dma_start3A_528 = arith.constant 0 : i32
      %dma_start3A_529 = tpu.memref_slice %arg4[%add3A_514, %dma_start3A_527, %dma_start3A_528] : memref<4096x16x64xf32, #tpu.memory_space<hbm>> -> memref<16x16x64xf32, #tpu.memory_space<hbm>>
      %dma_start3A_530 = arith.constant 0 : i32
      %dma_start3A_531 = arith.constant 0 : i32
      %dma_start3A_532 = arith.constant 0 : i32
      %dma_start3A_533 = tpu.memref_slice %arg5[%dma_start3A_515, %dma_start3A_530, %dma_start3A_531, %dma_start3A_532] : memref<3x16x16x64xf32, #tpu.memory_space<vmem>> -> memref<1x16x16x64xf32, #tpu.memory_space<vmem>>
      %dma_start3A_534 = tpu.memref_squeeze %dma_start3A_533 : memref<1x16x16x64xf32, #tpu.memory_space<vmem>> -> memref<16x16x64xf32, #tpu.memory_space<vmem>>
      tpu.enqueue_dma source(%dma_start3A_534 : memref<16x16x64xf32, #tpu.memory_space<vmem>>) target(%dma_start3A_529 : memref<16x16x64xf32, #tpu.memory_space<hbm>>) target_semaphore(%dma_start3A_526 : memref<!tpu.dma_semaphore, #tpu.memory_space<semaphore_mem>>)
      %dma_wait3A_535 = arith.constant 0 : i32
      %dma_wait3A_536 = arith.constant 0 : i32
      %dma_wait3A_537 = arith.constant 0 : i32
      %dma_wait3A_538 = arith.constant 0 : i32
      %dma_wait3A_539 = arith.constant 0 : i32
      %dma_wait3A_540 = tpu.memref_slice %arg5[%dma_wait3A_535, %dma_wait3A_537, %dma_wait3A_538, %dma_wait3A_539] : memref<3x16x16x64xf32, #tpu.memory_space<vmem>> -> memref<1x16x16x64xf32, #tpu.memory_space<vmem>>
      %dma_wait3A_541 = tpu.memref_squeeze %dma_wait3A_540 : memref<1x16x16x64xf32, #tpu.memory_space<vmem>> -> memref<16x16x64xf32, #tpu.memory_space<vmem>>
      %dma_wait3A_542 = arith.constant 0 : i32
      %dma_wait3A_543 = arith.constant 0 : i32
      %dma_wait3A_544 = tpu.memref_slice %arg2[%add3A_22, %dma_wait3A_542, %dma_wait3A_543] : memref<256x16x64xf32, #tpu.memory_space<hbm>> -> memref<16x16x64xf32, #tpu.memory_space<hbm>>
      %dma_wait3A_545 = tpu.memref_slice %arg6[%dma_wait3A_536] : memref<3x!tpu.dma_semaphore, #tpu.memory_space<semaphore_mem>> -> memref<1x!tpu.dma_semaphore, #tpu.memory_space<semaphore_mem>>
      %dma_wait3A_546 = tpu.memref_squeeze %dma_wait3A_545 : memref<1x!tpu.dma_semaphore, #tpu.memory_space<semaphore_mem>> -> memref<!tpu.dma_semaphore, #tpu.memory_space<semaphore_mem>>
      %dma_wait3A_547 = arith.constant 0 : i32
      %dma_wait3A_548 = arith.constant 0 : i32
      %dma_wait3A_549 = arith.constant 0 : i32
      %dma_wait3A_550 = tpu.memref_slice %arg5[%dma_wait3A_535, %dma_wait3A_547, %dma_wait3A_548, %dma_wait3A_549] : memref<3x16x16x64xf32, #tpu.memory_space<vmem>> -> memref<1x16x16x64xf32, #tpu.memory_space<vmem>>
      %dma_wait3A_551 = tpu.memref_squeeze %dma_wait3A_550 : memref<1x16x16x64xf32, #tpu.memory_space<vmem>> -> memref<16x16x64xf32, #tpu.memory_space<vmem>>
      %dma_wait3A_552 = arith.constant 0 : i32
      %dma_wait3A_553 = arith.constant 0 : i32
      %dma_wait3A_554 = tpu.memref_slice %arg2[%add3A_22, %dma_wait3A_552, %dma_wait3A_553] : memref<256x16x64xf32, #tpu.memory_space<hbm>> -> memref<16x16x64xf32, #tpu.memory_space<hbm>>
      tpu.wait_dma2 semaphore(%dma_wait3A_546 : memref<!tpu.dma_semaphore, #tpu.memory_space<semaphore_mem>>) src(%dma_wait3A_554 : memref<16x16x64xf32, #tpu.memory_space<hbm>>) dst(%dma_wait3A_551 : memref<16x16x64xf32, #tpu.memory_space<vmem>>)
      %add3A_555 = arith.constant 96 : i32
      %add3A_556 = arith.addi %mul3A_2, %add3A_555 : i32
      %dma_start3A_557 = arith.constant 0 : i32
      %dma_start3A_558 = arith.constant 0 : i32
      %dma_start3A_559 = arith.constant 0 : i32
      %dma_start3A_560 = arith.constant 0 : i32
      %dma_start3A_561 = arith.constant 0 : i32
      %dma_start3A_562 = tpu.memref_slice %arg5[%dma_start3A_557, %dma_start3A_559, %dma_start3A_560, %dma_start3A_561] : memref<3x16x16x64xf32, #tpu.memory_space<vmem>> -> memref<1x16x16x64xf32, #tpu.memory_space<vmem>>
      %dma_start3A_563 = tpu.memref_squeeze %dma_start3A_562 : memref<1x16x16x64xf32, #tpu.memory_space<vmem>> -> memref<16x16x64xf32, #tpu.memory_space<vmem>>
      %dma_start3A_564 = arith.constant 0 : i32
      %dma_start3A_565 = arith.constant 0 : i32
      %dma_start3A_566 = tpu.memref_slice %arg4[%add3A_556, %dma_start3A_564, %dma_start3A_565] : memref<4096x16x64xf32, #tpu.memory_space<hbm>> -> memref<16x16x64xf32, #tpu.memory_space<hbm>>
      %dma_start3A_567 = tpu.memref_slice %arg7[%dma_start3A_558] : memref<3x!tpu.dma_semaphore, #tpu.memory_space<semaphore_mem>> -> memref<1x!tpu.dma_semaphore, #tpu.memory_space<semaphore_mem>>
      %dma_start3A_568 = tpu.memref_squeeze %dma_start3A_567 : memref<1x!tpu.dma_semaphore, #tpu.memory_space<semaphore_mem>> -> memref<!tpu.dma_semaphore, #tpu.memory_space<semaphore_mem>>
      %dma_start3A_569 = arith.constant 0 : i32
      %dma_start3A_570 = arith.constant 0 : i32
      %dma_start3A_571 = tpu.memref_slice %arg4[%add3A_556, %dma_start3A_569, %dma_start3A_570] : memref<4096x16x64xf32, #tpu.memory_space<hbm>> -> memref<16x16x64xf32, #tpu.memory_space<hbm>>
      %dma_start3A_572 = arith.constant 0 : i32
      %dma_start3A_573 = arith.constant 0 : i32
      %dma_start3A_574 = arith.constant 0 : i32
      %dma_start3A_575 = tpu.memref_slice %arg5[%dma_start3A_557, %dma_start3A_572, %dma_start3A_573, %dma_start3A_574] : memref<3x16x16x64xf32, #tpu.memory_space<vmem>> -> memref<1x16x16x64xf32, #tpu.memory_space<vmem>>
      %dma_start3A_576 = tpu.memref_squeeze %dma_start3A_575 : memref<1x16x16x64xf32, #tpu.memory_space<vmem>> -> memref<16x16x64xf32, #tpu.memory_space<vmem>>
      tpu.enqueue_dma source(%dma_start3A_576 : memref<16x16x64xf32, #tpu.memory_space<vmem>>) target(%dma_start3A_571 : memref<16x16x64xf32, #tpu.memory_space<hbm>>) target_semaphore(%dma_start3A_568 : memref<!tpu.dma_semaphore, #tpu.memory_space<semaphore_mem>>)
      %dma_wait3A_577 = arith.constant 1 : i32
      %dma_wait3A_578 = arith.constant 1 : i32
      %dma_wait3A_579 = arith.constant 0 : i32
      %dma_wait3A_580 = arith.constant 0 : i32
      %dma_wait3A_581 = arith.constant 0 : i32
      %dma_wait3A_582 = tpu.memref_slice %arg5[%dma_wait3A_577, %dma_wait3A_579, %dma_wait3A_580, %dma_wait3A_581] : memref<3x16x16x64xf32, #tpu.memory_space<vmem>> -> memref<1x16x16x64xf32, #tpu.memory_space<vmem>>
      %dma_wait3A_583 = tpu.memref_squeeze %dma_wait3A_582 : memref<1x16x16x64xf32, #tpu.memory_space<vmem>> -> memref<16x16x64xf32, #tpu.memory_space<vmem>>
      %dma_wait3A_584 = arith.constant 0 : i32
      %dma_wait3A_585 = arith.constant 0 : i32
      %dma_wait3A_586 = tpu.memref_slice %arg2[%add3A_24, %dma_wait3A_584, %dma_wait3A_585] : memref<256x16x64xf32, #tpu.memory_space<hbm>> -> memref<16x16x64xf32, #tpu.memory_space<hbm>>
      %dma_wait3A_587 = tpu.memref_slice %arg6[%dma_wait3A_578] : memref<3x!tpu.dma_semaphore, #tpu.memory_space<semaphore_mem>> -> memref<1x!tpu.dma_semaphore, #tpu.memory_space<semaphore_mem>>
      %dma_wait3A_588 = tpu.memref_squeeze %dma_wait3A_587 : memref<1x!tpu.dma_semaphore, #tpu.memory_space<semaphore_mem>> -> memref<!tpu.dma_semaphore, #tpu.memory_space<semaphore_mem>>
      %dma_wait3A_589 = arith.constant 0 : i32
      %dma_wait3A_590 = arith.constant 0 : i32
      %dma_wait3A_591 = arith.constant 0 : i32
      %dma_wait3A_592 = tpu.memref_slice %arg5[%dma_wait3A_577, %dma_wait3A_589, %dma_wait3A_590, %dma_wait3A_591] : memref<3x16x16x64xf32, #tpu.memory_space<vmem>> -> memref<1x16x16x64xf32, #tpu.memory_space<vmem>>
      %dma_wait3A_593 = tpu.memref_squeeze %dma_wait3A_592 : memref<1x16x16x64xf32, #tpu.memory_space<vmem>> -> memref<16x16x64xf32, #tpu.memory_space<vmem>>
      %dma_wait3A_594 = arith.constant 0 : i32
      %dma_wait3A_595 = arith.constant 0 : i32
      %dma_wait3A_596 = tpu.memref_slice %arg2[%add3A_24, %dma_wait3A_594, %dma_wait3A_595] : memref<256x16x64xf32, #tpu.memory_space<hbm>> -> memref<16x16x64xf32, #tpu.memory_space<hbm>>
      tpu.wait_dma2 semaphore(%dma_wait3A_588 : memref<!tpu.dma_semaphore, #tpu.memory_space<semaphore_mem>>) src(%dma_wait3A_596 : memref<16x16x64xf32, #tpu.memory_space<hbm>>) dst(%dma_wait3A_593 : memref<16x16x64xf32, #tpu.memory_space<vmem>>)
      %add3A_597 = arith.constant 112 : i32
      %add3A_598 = arith.addi %mul3A_2, %add3A_597 : i32
      %dma_start3A_599 = arith.constant 1 : i32
      %dma_start3A_600 = arith.constant 1 : i32
      %dma_start3A_601 = arith.constant 0 : i32
      %dma_start3A_602 = arith.constant 0 : i32
      %dma_start3A_603 = arith.constant 0 : i32
      %dma_start3A_604 = tpu.memref_slice %arg5[%dma_start3A_599, %dma_start3A_601, %dma_start3A_602, %dma_start3A_603] : memref<3x16x16x64xf32, #tpu.memory_space<vmem>> -> memref<1x16x16x64xf32, #tpu.memory_space<vmem>>
      %dma_start3A_605 = tpu.memref_squeeze %dma_start3A_604 : memref<1x16x16x64xf32, #tpu.memory_space<vmem>> -> memref<16x16x64xf32, #tpu.memory_space<vmem>>
      %dma_start3A_606 = arith.constant 0 : i32
      %dma_start3A_607 = arith.constant 0 : i32
      %dma_start3A_608 = tpu.memref_slice %arg4[%add3A_598, %dma_start3A_606, %dma_start3A_607] : memref<4096x16x64xf32, #tpu.memory_space<hbm>> -> memref<16x16x64xf32, #tpu.memory_space<hbm>>
      %dma_start3A_609 = tpu.memref_slice %arg7[%dma_start3A_600] : memref<3x!tpu.dma_semaphore, #tpu.memory_space<semaphore_mem>> -> memref<1x!tpu.dma_semaphore, #tpu.memory_space<semaphore_mem>>
      %dma_start3A_610 = tpu.memref_squeeze %dma_start3A_609 : memref<1x!tpu.dma_semaphore, #tpu.memory_space<semaphore_mem>> -> memref<!tpu.dma_semaphore, #tpu.memory_space<semaphore_mem>>
      %dma_start3A_611 = arith.constant 0 : i32
      %dma_start3A_612 = arith.constant 0 : i32
      %dma_start3A_613 = tpu.memref_slice %arg4[%add3A_598, %dma_start3A_611, %dma_start3A_612] : memref<4096x16x64xf32, #tpu.memory_space<hbm>> -> memref<16x16x64xf32, #tpu.memory_space<hbm>>
      %dma_start3A_614 = arith.constant 0 : i32
      %dma_start3A_615 = arith.constant 0 : i32
      %dma_start3A_616 = arith.constant 0 : i32
      %dma_start3A_617 = tpu.memref_slice %arg5[%dma_start3A_599, %dma_start3A_614, %dma_start3A_615, %dma_start3A_616] : memref<3x16x16x64xf32, #tpu.memory_space<vmem>> -> memref<1x16x16x64xf32, #tpu.memory_space<vmem>>
      %dma_start3A_618 = tpu.memref_squeeze %dma_start3A_617 : memref<1x16x16x64xf32, #tpu.memory_space<vmem>> -> memref<16x16x64xf32, #tpu.memory_space<vmem>>
      tpu.enqueue_dma source(%dma_start3A_618 : memref<16x16x64xf32, #tpu.memory_space<vmem>>) target(%dma_start3A_613 : memref<16x16x64xf32, #tpu.memory_space<hbm>>) target_semaphore(%dma_start3A_610 : memref<!tpu.dma_semaphore, #tpu.memory_space<semaphore_mem>>)
      %dma_wait3A_619 = arith.constant 2 : i32
      %dma_wait3A_620 = arith.constant 2 : i32
      %dma_wait3A_621 = arith.constant 0 : i32
      %dma_wait3A_622 = arith.constant 0 : i32
      %dma_wait3A_623 = arith.constant 0 : i32
      %dma_wait3A_624 = tpu.memref_slice %arg5[%dma_wait3A_619, %dma_wait3A_621, %dma_wait3A_622, %dma_wait3A_623] : memref<3x16x16x64xf32, #tpu.memory_space<vmem>> -> memref<1x16x16x64xf32, #tpu.memory_space<vmem>>
      %dma_wait3A_625 = tpu.memref_squeeze %dma_wait3A_624 : memref<1x16x16x64xf32, #tpu.memory_space<vmem>> -> memref<16x16x64xf32, #tpu.memory_space<vmem>>
      %dma_wait3A_626 = arith.constant 0 : i32
      %dma_wait3A_627 = arith.constant 0 : i32
      %dma_wait3A_628 = tpu.memref_slice %arg4[%add3A_514, %dma_wait3A_626, %dma_wait3A_627] : memref<4096x16x64xf32, #tpu.memory_space<hbm>> -> memref<16x16x64xf32, #tpu.memory_space<hbm>>
      %dma_wait3A_629 = tpu.memref_slice %arg7[%dma_wait3A_620] : memref<3x!tpu.dma_semaphore, #tpu.memory_space<semaphore_mem>> -> memref<1x!tpu.dma_semaphore, #tpu.memory_space<semaphore_mem>>
      %dma_wait3A_630 = tpu.memref_squeeze %dma_wait3A_629 : memref<1x!tpu.dma_semaphore, #tpu.memory_space<semaphore_mem>> -> memref<!tpu.dma_semaphore, #tpu.memory_space<semaphore_mem>>
      %dma_wait3A_631 = arith.constant 0 : i32
      %dma_wait3A_632 = arith.constant 0 : i32
      %dma_wait3A_633 = tpu.memref_slice %arg4[%add3A_514, %dma_wait3A_631, %dma_wait3A_632] : memref<4096x16x64xf32, #tpu.memory_space<hbm>> -> memref<16x16x64xf32, #tpu.memory_space<hbm>>
      %dma_wait3A_634 = arith.constant 0 : i32
      %dma_wait3A_635 = arith.constant 0 : i32
      %dma_wait3A_636 = arith.constant 0 : i32
      %dma_wait3A_637 = tpu.memref_slice %arg5[%dma_wait3A_619, %dma_wait3A_634, %dma_wait3A_635, %dma_wait3A_636] : memref<3x16x16x64xf32, #tpu.memory_space<vmem>> -> memref<1x16x16x64xf32, #tpu.memory_space<vmem>>
      %dma_wait3A_638 = tpu.memref_squeeze %dma_wait3A_637 : memref<1x16x16x64xf32, #tpu.memory_space<vmem>> -> memref<16x16x64xf32, #tpu.memory_space<vmem>>
      tpu.wait_dma2 semaphore(%dma_wait3A_630 : memref<!tpu.dma_semaphore, #tpu.memory_space<semaphore_mem>>) src(%dma_wait3A_638 : memref<16x16x64xf32, #tpu.memory_space<vmem>>) dst(%dma_wait3A_633 : memref<16x16x64xf32, #tpu.memory_space<hbm>>)
      %dma_wait3A_639 = arith.constant 0 : i32
      %dma_wait3A_640 = arith.constant 0 : i32
      %dma_wait3A_641 = arith.constant 0 : i32
      %dma_wait3A_642 = arith.constant 0 : i32
      %dma_wait3A_643 = arith.constant 0 : i32
      %dma_wait3A_644 = tpu.memref_slice %arg5[%dma_wait3A_639, %dma_wait3A_641, %dma_wait3A_642, %dma_wait3A_643] : memref<3x16x16x64xf32, #tpu.memory_space<vmem>> -> memref<1x16x16x64xf32, #tpu.memory_space<vmem>>
      %dma_wait3A_645 = tpu.memref_squeeze %dma_wait3A_644 : memref<1x16x16x64xf32, #tpu.memory_space<vmem>> -> memref<16x16x64xf32, #tpu.memory_space<vmem>>
      %dma_wait3A_646 = arith.constant 0 : i32
      %dma_wait3A_647 = arith.constant 0 : i32
      %dma_wait3A_648 = tpu.memref_slice %arg4[%add3A_556, %dma_wait3A_646, %dma_wait3A_647] : memref<4096x16x64xf32, #tpu.memory_space<hbm>> -> memref<16x16x64xf32, #tpu.memory_space<hbm>>
      %dma_wait3A_649 = tpu.memref_slice %arg7[%dma_wait3A_640] : memref<3x!tpu.dma_semaphore, #tpu.memory_space<semaphore_mem>> -> memref<1x!tpu.dma_semaphore, #tpu.memory_space<semaphore_mem>>
      %dma_wait3A_650 = tpu.memref_squeeze %dma_wait3A_649 : memref<1x!tpu.dma_semaphore, #tpu.memory_space<semaphore_mem>> -> memref<!tpu.dma_semaphore, #tpu.memory_space<semaphore_mem>>
      %dma_wait3A_651 = arith.constant 0 : i32
      %dma_wait3A_652 = arith.constant 0 : i32
      %dma_wait3A_653 = tpu.memref_slice %arg4[%add3A_556, %dma_wait3A_651, %dma_wait3A_652] : memref<4096x16x64xf32, #tpu.memory_space<hbm>> -> memref<16x16x64xf32, #tpu.memory_space<hbm>>
      %dma_wait3A_654 = arith.constant 0 : i32
      %dma_wait3A_655 = arith.constant 0 : i32
      %dma_wait3A_656 = arith.constant 0 : i32
      %dma_wait3A_657 = tpu.memref_slice %arg5[%dma_wait3A_639, %dma_wait3A_654, %dma_wait3A_655, %dma_wait3A_656] : memref<3x16x16x64xf32, #tpu.memory_space<vmem>> -> memref<1x16x16x64xf32, #tpu.memory_space<vmem>>
      %dma_wait3A_658 = tpu.memref_squeeze %dma_wait3A_657 : memref<1x16x16x64xf32, #tpu.memory_space<vmem>> -> memref<16x16x64xf32, #tpu.memory_space<vmem>>
      tpu.wait_dma2 semaphore(%dma_wait3A_650 : memref<!tpu.dma_semaphore, #tpu.memory_space<semaphore_mem>>) src(%dma_wait3A_658 : memref<16x16x64xf32, #tpu.memory_space<vmem>>) dst(%dma_wait3A_653 : memref<16x16x64xf32, #tpu.memory_space<hbm>>)
      %dma_wait3A_659 = arith.constant 1 : i32
      %dma_wait3A_660 = arith.constant 1 : i32
      %dma_wait3A_661 = arith.constant 0 : i32
      %dma_wait3A_662 = arith.constant 0 : i32
      %dma_wait3A_663 = arith.constant 0 : i32
      %dma_wait3A_664 = tpu.memref_slice %arg5[%dma_wait3A_659, %dma_wait3A_661, %dma_wait3A_662, %dma_wait3A_663] : memref<3x16x16x64xf32, #tpu.memory_space<vmem>> -> memref<1x16x16x64xf32, #tpu.memory_space<vmem>>
      %dma_wait3A_665 = tpu.memref_squeeze %dma_wait3A_664 : memref<1x16x16x64xf32, #tpu.memory_space<vmem>> -> memref<16x16x64xf32, #tpu.memory_space<vmem>>
      %dma_wait3A_666 = arith.constant 0 : i32
      %dma_wait3A_667 = arith.constant 0 : i32
      %dma_wait3A_668 = tpu.memref_slice %arg4[%add3A_598, %dma_wait3A_666, %dma_wait3A_667] : memref<4096x16x64xf32, #tpu.memory_space<hbm>> -> memref<16x16x64xf32, #tpu.memory_space<hbm>>
      %dma_wait3A_669 = tpu.memref_slice %arg7[%dma_wait3A_660] : memref<3x!tpu.dma_semaphore, #tpu.memory_space<semaphore_mem>> -> memref<1x!tpu.dma_semaphore, #tpu.memory_space<semaphore_mem>>
      %dma_wait3A_670 = tpu.memref_squeeze %dma_wait3A_669 : memref<1x!tpu.dma_semaphore, #tpu.memory_space<semaphore_mem>> -> memref<!tpu.dma_semaphore, #tpu.memory_space<semaphore_mem>>
      %dma_wait3A_671 = arith.constant 0 : i32
      %dma_wait3A_672 = arith.constant 0 : i32
      %dma_wait3A_673 = tpu.memref_slice %arg4[%add3A_598, %dma_wait3A_671, %dma_wait3A_672] : memref<4096x16x64xf32, #tpu.memory_space<hbm>> -> memref<16x16x64xf32, #tpu.memory_space<hbm>>
      %dma_wait3A_674 = arith.constant 0 : i32
      %dma_wait3A_675 = arith.constant 0 : i32
      %dma_wait3A_676 = arith.constant 0 : i32
      %dma_wait3A_677 = tpu.memref_slice %arg5[%dma_wait3A_659, %dma_wait3A_674, %dma_wait3A_675, %dma_wait3A_676] : memref<3x16x16x64xf32, #tpu.memory_space<vmem>> -> memref<1x16x16x64xf32, #tpu.memory_space<vmem>>
      %dma_wait3A_678 = tpu.memref_squeeze %dma_wait3A_677 : memref<1x16x16x64xf32, #tpu.memory_space<vmem>> -> memref<16x16x64xf32, #tpu.memory_space<vmem>>
      tpu.wait_dma2 semaphore(%dma_wait3A_670 : memref<!tpu.dma_semaphore, #tpu.memory_space<semaphore_mem>>) src(%dma_wait3A_678 : memref<16x16x64xf32, #tpu.memory_space<vmem>>) dst(%dma_wait3A_673 : memref<16x16x64xf32, #tpu.memory_space<hbm>>)
    } else {
    }
    %ge3A = arith.constant 2 : i32
    %ge3A_5 = arith.cmpi sge, %add3A, %ge3A : i32
    %convert_element_type3A_6 = arith.extui %ge3A_5 : i1 to i32
    %cond3A_7 = arith.constant 0 : i32
    %cond3A_8 = arith.cmpi ne, %convert_element_type3A_6, %cond3A_7 : i32
    scf.if %cond3A_8 {
      %sub3A = arith.constant 256 : i32
      %sub3A_9 = arith.subi %mul3A_2, %sub3A : i32
      %add3A_10 = arith.constant 0 : i32
      %add3A_11 = arith.addi %sub3A_9, %add3A_10 : i32
      %add3A_12 = arith.constant 16 : i32
      %add3A_13 = arith.addi %sub3A_9, %add3A_12 : i32
      %add3A_14 = arith.constant 32 : i32
      %add3A_15 = arith.addi %sub3A_9, %add3A_14 : i32
      %add3A_16 = arith.constant 48 : i32
      %add3A_17 = arith.addi %sub3A_9, %add3A_16 : i32
      %add3A_18 = arith.constant 64 : i32
      %add3A_19 = arith.addi %sub3A_9, %add3A_18 : i32
      %add3A_20 = arith.constant 80 : i32
      %add3A_21 = arith.addi %sub3A_9, %add3A_20 : i32
      %add3A_22 = arith.constant 96 : i32
      %add3A_23 = arith.addi %sub3A_9, %add3A_22 : i32
      %add3A_24 = arith.constant 112 : i32
      %add3A_25 = arith.addi %sub3A_9, %add3A_24 : i32
      %dma_start3A = arith.constant 0 : i32
      %dma_start3A_26 = arith.constant 0 : i32
      %dma_start3A_27 = arith.constant 0 : i32
      %dma_start3A_28 = arith.constant 0 : i32
      %dma_start3A_29 = arith.constant 0 : i32
      %dma_start3A_30 = tpu.memref_slice %arg5[%dma_start3A, %dma_start3A_27, %dma_start3A_28, %dma_start3A_29] : memref<3x16x16x64xf32, #tpu.memory_space<vmem>> -> memref<1x16x16x64xf32, #tpu.memory_space<vmem>>
      %dma_start3A_31 = tpu.memref_squeeze %dma_start3A_30 : memref<1x16x16x64xf32, #tpu.memory_space<vmem>> -> memref<16x16x64xf32, #tpu.memory_space<vmem>>
      %dma_start3A_32 = arith.constant 0 : i32
      %dma_start3A_33 = arith.constant 0 : i32
      %dma_start3A_34 = tpu.memref_slice %arg3[%add3A_11, %dma_start3A_32, %dma_start3A_33] : memref<4096x16x64xf32, #tpu.memory_space<hbm>> -> memref<16x16x64xf32, #tpu.memory_space<hbm>>
      %dma_start3A_35 = tpu.memref_slice %arg6[%dma_start3A_26] : memref<3x!tpu.dma_semaphore, #tpu.memory_space<semaphore_mem>> -> memref<1x!tpu.dma_semaphore, #tpu.memory_space<semaphore_mem>>
      %dma_start3A_36 = tpu.memref_squeeze %dma_start3A_35 : memref<1x!tpu.dma_semaphore, #tpu.memory_space<semaphore_mem>> -> memref<!tpu.dma_semaphore, #tpu.memory_space<semaphore_mem>>
      %dma_start3A_37 = arith.constant 0 : i32
      %dma_start3A_38 = arith.constant 0 : i32
      %dma_start3A_39 = arith.constant 0 : i32
      %dma_start3A_40 = tpu.memref_slice %arg5[%dma_start3A, %dma_start3A_37, %dma_start3A_38, %dma_start3A_39] : memref<3x16x16x64xf32, #tpu.memory_space<vmem>> -> memref<1x16x16x64xf32, #tpu.memory_space<vmem>>
      %dma_start3A_41 = tpu.memref_squeeze %dma_start3A_40 : memref<1x16x16x64xf32, #tpu.memory_space<vmem>> -> memref<16x16x64xf32, #tpu.memory_space<vmem>>
      %dma_start3A_42 = arith.constant 0 : i32
      %dma_start3A_43 = arith.constant 0 : i32
      %dma_start3A_44 = tpu.memref_slice %arg3[%add3A_11, %dma_start3A_42, %dma_start3A_43] : memref<4096x16x64xf32, #tpu.memory_space<hbm>> -> memref<16x16x64xf32, #tpu.memory_space<hbm>>
      tpu.enqueue_dma source(%dma_start3A_44 : memref<16x16x64xf32, #tpu.memory_space<hbm>>) target(%dma_start3A_41 : memref<16x16x64xf32, #tpu.memory_space<vmem>>) target_semaphore(%dma_start3A_36 : memref<!tpu.dma_semaphore, #tpu.memory_space<semaphore_mem>>)
      %dma_start3A_45 = arith.constant 1 : i32
      %dma_start3A_46 = arith.constant 1 : i32
      %dma_start3A_47 = arith.constant 0 : i32
      %dma_start3A_48 = arith.constant 0 : i32
      %dma_start3A_49 = arith.constant 0 : i32
      %dma_start3A_50 = tpu.memref_slice %arg5[%dma_start3A_45, %dma_start3A_47, %dma_start3A_48, %dma_start3A_49] : memref<3x16x16x64xf32, #tpu.memory_space<vmem>> -> memref<1x16x16x64xf32, #tpu.memory_space<vmem>>
      %dma_start3A_51 = tpu.memref_squeeze %dma_start3A_50 : memref<1x16x16x64xf32, #tpu.memory_space<vmem>> -> memref<16x16x64xf32, #tpu.memory_space<vmem>>
      %dma_start3A_52 = arith.constant 0 : i32
      %dma_start3A_53 = arith.constant 0 : i32
      %dma_start3A_54 = tpu.memref_slice %arg3[%add3A_13, %dma_start3A_52, %dma_start3A_53] : memref<4096x16x64xf32, #tpu.memory_space<hbm>> -> memref<16x16x64xf32, #tpu.memory_space<hbm>>
      %dma_start3A_55 = tpu.memref_slice %arg6[%dma_start3A_46] : memref<3x!tpu.dma_semaphore, #tpu.memory_space<semaphore_mem>> -> memref<1x!tpu.dma_semaphore, #tpu.memory_space<semaphore_mem>>
      %dma_start3A_56 = tpu.memref_squeeze %dma_start3A_55 : memref<1x!tpu.dma_semaphore, #tpu.memory_space<semaphore_mem>> -> memref<!tpu.dma_semaphore, #tpu.memory_space<semaphore_mem>>
      %dma_start3A_57 = arith.constant 0 : i32
      %dma_start3A_58 = arith.constant 0 : i32
      %dma_start3A_59 = arith.constant 0 : i32
      %dma_start3A_60 = tpu.memref_slice %arg5[%dma_start3A_45, %dma_start3A_57, %dma_start3A_58, %dma_start3A_59] : memref<3x16x16x64xf32, #tpu.memory_space<vmem>> -> memref<1x16x16x64xf32, #tpu.memory_space<vmem>>
      %dma_start3A_61 = tpu.memref_squeeze %dma_start3A_60 : memref<1x16x16x64xf32, #tpu.memory_space<vmem>> -> memref<16x16x64xf32, #tpu.memory_space<vmem>>
      %dma_start3A_62 = arith.constant 0 : i32
      %dma_start3A_63 = arith.constant 0 : i32
      %dma_start3A_64 = tpu.memref_slice %arg3[%add3A_13, %dma_start3A_62, %dma_start3A_63] : memref<4096x16x64xf32, #tpu.memory_space<hbm>> -> memref<16x16x64xf32, #tpu.memory_space<hbm>>
      tpu.enqueue_dma source(%dma_start3A_64 : memref<16x16x64xf32, #tpu.memory_space<hbm>>) target(%dma_start3A_61 : memref<16x16x64xf32, #tpu.memory_space<vmem>>) target_semaphore(%dma_start3A_56 : memref<!tpu.dma_semaphore, #tpu.memory_space<semaphore_mem>>)
      %dma_start3A_65 = arith.constant 2 : i32
      %dma_start3A_66 = arith.constant 2 : i32
      %dma_start3A_67 = arith.constant 0 : i32
      %dma_start3A_68 = arith.constant 0 : i32
      %dma_start3A_69 = arith.constant 0 : i32
      %dma_start3A_70 = tpu.memref_slice %arg5[%dma_start3A_65, %dma_start3A_67, %dma_start3A_68, %dma_start3A_69] : memref<3x16x16x64xf32, #tpu.memory_space<vmem>> -> memref<1x16x16x64xf32, #tpu.memory_space<vmem>>
      %dma_start3A_71 = tpu.memref_squeeze %dma_start3A_70 : memref<1x16x16x64xf32, #tpu.memory_space<vmem>> -> memref<16x16x64xf32, #tpu.memory_space<vmem>>
      %dma_start3A_72 = arith.constant 0 : i32
      %dma_start3A_73 = arith.constant 0 : i32
      %dma_start3A_74 = tpu.memref_slice %arg3[%add3A_15, %dma_start3A_72, %dma_start3A_73] : memref<4096x16x64xf32, #tpu.memory_space<hbm>> -> memref<16x16x64xf32, #tpu.memory_space<hbm>>
      %dma_start3A_75 = tpu.memref_slice %arg6[%dma_start3A_66] : memref<3x!tpu.dma_semaphore, #tpu.memory_space<semaphore_mem>> -> memref<1x!tpu.dma_semaphore, #tpu.memory_space<semaphore_mem>>
      %dma_start3A_76 = tpu.memref_squeeze %dma_start3A_75 : memref<1x!tpu.dma_semaphore, #tpu.memory_space<semaphore_mem>> -> memref<!tpu.dma_semaphore, #tpu.memory_space<semaphore_mem>>
      %dma_start3A_77 = arith.constant 0 : i32
      %dma_start3A_78 = arith.constant 0 : i32
      %dma_start3A_79 = arith.constant 0 : i32
      %dma_start3A_80 = tpu.memref_slice %arg5[%dma_start3A_65, %dma_start3A_77, %dma_start3A_78, %dma_start3A_79] : memref<3x16x16x64xf32, #tpu.memory_space<vmem>> -> memref<1x16x16x64xf32, #tpu.memory_space<vmem>>
      %dma_start3A_81 = tpu.memref_squeeze %dma_start3A_80 : memref<1x16x16x64xf32, #tpu.memory_space<vmem>> -> memref<16x16x64xf32, #tpu.memory_space<vmem>>
      %dma_start3A_82 = arith.constant 0 : i32
      %dma_start3A_83 = arith.constant 0 : i32
      %dma_start3A_84 = tpu.memref_slice %arg3[%add3A_15, %dma_start3A_82, %dma_start3A_83] : memref<4096x16x64xf32, #tpu.memory_space<hbm>> -> memref<16x16x64xf32, #tpu.memory_space<hbm>>
      tpu.enqueue_dma source(%dma_start3A_84 : memref<16x16x64xf32, #tpu.memory_space<hbm>>) target(%dma_start3A_81 : memref<16x16x64xf32, #tpu.memory_space<vmem>>) target_semaphore(%dma_start3A_76 : memref<!tpu.dma_semaphore, #tpu.memory_space<semaphore_mem>>)
      %dma_wait3A = arith.constant 0 : i32
      %dma_wait3A_85 = arith.constant 0 : i32
      %dma_wait3A_86 = arith.constant 0 : i32
      %dma_wait3A_87 = arith.constant 0 : i32
      %dma_wait3A_88 = arith.constant 0 : i32
      %dma_wait3A_89 = tpu.memref_slice %arg5[%dma_wait3A, %dma_wait3A_86, %dma_wait3A_87, %dma_wait3A_88] : memref<3x16x16x64xf32, #tpu.memory_space<vmem>> -> memref<1x16x16x64xf32, #tpu.memory_space<vmem>>
      %dma_wait3A_90 = tpu.memref_squeeze %dma_wait3A_89 : memref<1x16x16x64xf32, #tpu.memory_space<vmem>> -> memref<16x16x64xf32, #tpu.memory_space<vmem>>
      %dma_wait3A_91 = arith.constant 0 : i32
      %dma_wait3A_92 = arith.constant 0 : i32
      %dma_wait3A_93 = tpu.memref_slice %arg3[%add3A_11, %dma_wait3A_91, %dma_wait3A_92] : memref<4096x16x64xf32, #tpu.memory_space<hbm>> -> memref<16x16x64xf32, #tpu.memory_space<hbm>>
      %dma_wait3A_94 = tpu.memref_slice %arg6[%dma_wait3A_85] : memref<3x!tpu.dma_semaphore, #tpu.memory_space<semaphore_mem>> -> memref<1x!tpu.dma_semaphore, #tpu.memory_space<semaphore_mem>>
      %dma_wait3A_95 = tpu.memref_squeeze %dma_wait3A_94 : memref<1x!tpu.dma_semaphore, #tpu.memory_space<semaphore_mem>> -> memref<!tpu.dma_semaphore, #tpu.memory_space<semaphore_mem>>
      %dma_wait3A_96 = arith.constant 0 : i32
      %dma_wait3A_97 = arith.constant 0 : i32
      %dma_wait3A_98 = arith.constant 0 : i32
      %dma_wait3A_99 = tpu.memref_slice %arg5[%dma_wait3A, %dma_wait3A_96, %dma_wait3A_97, %dma_wait3A_98] : memref<3x16x16x64xf32, #tpu.memory_space<vmem>> -> memref<1x16x16x64xf32, #tpu.memory_space<vmem>>
      %dma_wait3A_100 = tpu.memref_squeeze %dma_wait3A_99 : memref<1x16x16x64xf32, #tpu.memory_space<vmem>> -> memref<16x16x64xf32, #tpu.memory_space<vmem>>
      %dma_wait3A_101 = arith.constant 0 : i32
      %dma_wait3A_102 = arith.constant 0 : i32
      %dma_wait3A_103 = tpu.memref_slice %arg3[%add3A_11, %dma_wait3A_101, %dma_wait3A_102] : memref<4096x16x64xf32, #tpu.memory_space<hbm>> -> memref<16x16x64xf32, #tpu.memory_space<hbm>>
      tpu.wait_dma2 semaphore(%dma_wait3A_95 : memref<!tpu.dma_semaphore, #tpu.memory_space<semaphore_mem>>) src(%dma_wait3A_103 : memref<16x16x64xf32, #tpu.memory_space<hbm>>) dst(%dma_wait3A_100 : memref<16x16x64xf32, #tpu.memory_space<vmem>>)
      %add3A_104 = arith.constant 0 : i32
      %add3A_105 = arith.addi %mul3A_2, %add3A_104 : i32
      %dma_start3A_106 = arith.constant 0 : i32
      %dma_start3A_107 = arith.constant 0 : i32
      %dma_start3A_108 = arith.constant 0 : i32
      %dma_start3A_109 = arith.constant 0 : i32
      %dma_start3A_110 = arith.constant 0 : i32
      %dma_start3A_111 = tpu.memref_slice %arg5[%dma_start3A_106, %dma_start3A_108, %dma_start3A_109, %dma_start3A_110] : memref<3x16x16x64xf32, #tpu.memory_space<vmem>> -> memref<1x16x16x64xf32, #tpu.memory_space<vmem>>
      %dma_start3A_112 = tpu.memref_squeeze %dma_start3A_111 : memref<1x16x16x64xf32, #tpu.memory_space<vmem>> -> memref<16x16x64xf32, #tpu.memory_space<vmem>>
      %dma_start3A_113 = arith.constant 0 : i32
      %dma_start3A_114 = arith.constant 0 : i32
      %dma_start3A_115 = tpu.memref_slice %arg4[%add3A_105, %dma_start3A_113, %dma_start3A_114] : memref<4096x16x64xf32, #tpu.memory_space<hbm>> -> memref<16x16x64xf32, #tpu.memory_space<hbm>>
      %dma_start3A_116 = tpu.memref_slice %arg7[%dma_start3A_107] : memref<3x!tpu.dma_semaphore, #tpu.memory_space<semaphore_mem>> -> memref<1x!tpu.dma_semaphore, #tpu.memory_space<semaphore_mem>>
      %dma_start3A_117 = tpu.memref_squeeze %dma_start3A_116 : memref<1x!tpu.dma_semaphore, #tpu.memory_space<semaphore_mem>> -> memref<!tpu.dma_semaphore, #tpu.memory_space<semaphore_mem>>
      %dma_start3A_118 = arith.constant 0 : i32
      %dma_start3A_119 = arith.constant 0 : i32
      %dma_start3A_120 = tpu.memref_slice %arg4[%add3A_105, %dma_start3A_118, %dma_start3A_119] : memref<4096x16x64xf32, #tpu.memory_space<hbm>> -> memref<16x16x64xf32, #tpu.memory_space<hbm>>
      %dma_start3A_121 = arith.constant 0 : i32
      %dma_start3A_122 = arith.constant 0 : i32
      %dma_start3A_123 = arith.constant 0 : i32
      %dma_start3A_124 = tpu.memref_slice %arg5[%dma_start3A_106, %dma_start3A_121, %dma_start3A_122, %dma_start3A_123] : memref<3x16x16x64xf32, #tpu.memory_space<vmem>> -> memref<1x16x16x64xf32, #tpu.memory_space<vmem>>
      %dma_start3A_125 = tpu.memref_squeeze %dma_start3A_124 : memref<1x16x16x64xf32, #tpu.memory_space<vmem>> -> memref<16x16x64xf32, #tpu.memory_space<vmem>>
      tpu.enqueue_dma source(%dma_start3A_125 : memref<16x16x64xf32, #tpu.memory_space<vmem>>) target(%dma_start3A_120 : memref<16x16x64xf32, #tpu.memory_space<hbm>>) target_semaphore(%dma_start3A_117 : memref<!tpu.dma_semaphore, #tpu.memory_space<semaphore_mem>>)
      %dma_wait3A_126 = arith.constant 0 : i32
      %dma_wait3A_127 = arith.constant 0 : i32
      %dma_wait3A_128 = arith.constant 0 : i32
      %dma_wait3A_129 = arith.constant 0 : i32
      %dma_wait3A_130 = arith.constant 0 : i32
      %dma_wait3A_131 = tpu.memref_slice %arg5[%dma_wait3A_126, %dma_wait3A_128, %dma_wait3A_129, %dma_wait3A_130] : memref<3x16x16x64xf32, #tpu.memory_space<vmem>> -> memref<1x16x16x64xf32, #tpu.memory_space<vmem>>
      %dma_wait3A_132 = tpu.memref_squeeze %dma_wait3A_131 : memref<1x16x16x64xf32, #tpu.memory_space<vmem>> -> memref<16x16x64xf32, #tpu.memory_space<vmem>>
      %dma_wait3A_133 = arith.constant 0 : i32
      %dma_wait3A_134 = arith.constant 0 : i32
      %dma_wait3A_135 = tpu.memref_slice %arg4[%add3A_105, %dma_wait3A_133, %dma_wait3A_134] : memref<4096x16x64xf32, #tpu.memory_space<hbm>> -> memref<16x16x64xf32, #tpu.memory_space<hbm>>
      %dma_wait3A_136 = tpu.memref_slice %arg7[%dma_wait3A_127] : memref<3x!tpu.dma_semaphore, #tpu.memory_space<semaphore_mem>> -> memref<1x!tpu.dma_semaphore, #tpu.memory_space<semaphore_mem>>
      %dma_wait3A_137 = tpu.memref_squeeze %dma_wait3A_136 : memref<1x!tpu.dma_semaphore, #tpu.memory_space<semaphore_mem>> -> memref<!tpu.dma_semaphore, #tpu.memory_space<semaphore_mem>>
      %dma_wait3A_138 = arith.constant 0 : i32
      %dma_wait3A_139 = arith.constant 0 : i32
      %dma_wait3A_140 = tpu.memref_slice %arg4[%add3A_105, %dma_wait3A_138, %dma_wait3A_139] : memref<4096x16x64xf32, #tpu.memory_space<hbm>> -> memref<16x16x64xf32, #tpu.memory_space<hbm>>
      %dma_wait3A_141 = arith.constant 0 : i32
      %dma_wait3A_142 = arith.constant 0 : i32
      %dma_wait3A_143 = arith.constant 0 : i32
      %dma_wait3A_144 = tpu.memref_slice %arg5[%dma_wait3A_126, %dma_wait3A_141, %dma_wait3A_142, %dma_wait3A_143] : memref<3x16x16x64xf32, #tpu.memory_space<vmem>> -> memref<1x16x16x64xf32, #tpu.memory_space<vmem>>
      %dma_wait3A_145 = tpu.memref_squeeze %dma_wait3A_144 : memref<1x16x16x64xf32, #tpu.memory_space<vmem>> -> memref<16x16x64xf32, #tpu.memory_space<vmem>>
      tpu.wait_dma2 semaphore(%dma_wait3A_137 : memref<!tpu.dma_semaphore, #tpu.memory_space<semaphore_mem>>) src(%dma_wait3A_145 : memref<16x16x64xf32, #tpu.memory_space<vmem>>) dst(%dma_wait3A_140 : memref<16x16x64xf32, #tpu.memory_space<hbm>>)
      %dma_start3A_146 = arith.constant 0 : i32
      %dma_start3A_147 = arith.constant 0 : i32
      %dma_start3A_148 = arith.constant 0 : i32
      %dma_start3A_149 = arith.constant 0 : i32
      %dma_start3A_150 = arith.constant 0 : i32
      %dma_start3A_151 = tpu.memref_slice %arg5[%dma_start3A_146, %dma_start3A_148, %dma_start3A_149, %dma_start3A_150] : memref<3x16x16x64xf32, #tpu.memory_space<vmem>> -> memref<1x16x16x64xf32, #tpu.memory_space<vmem>>
      %dma_start3A_152 = tpu.memref_squeeze %dma_start3A_151 : memref<1x16x16x64xf32, #tpu.memory_space<vmem>> -> memref<16x16x64xf32, #tpu.memory_space<vmem>>
      %dma_start3A_153 = arith.constant 0 : i32
      %dma_start3A_154 = arith.constant 0 : i32
      %dma_start3A_155 = tpu.memref_slice %arg3[%add3A_17, %dma_start3A_153, %dma_start3A_154] : memref<4096x16x64xf32, #tpu.memory_space<hbm>> -> memref<16x16x64xf32, #tpu.memory_space<hbm>>
      %dma_start3A_156 = tpu.memref_slice %arg6[%dma_start3A_147] : memref<3x!tpu.dma_semaphore, #tpu.memory_space<semaphore_mem>> -> memref<1x!tpu.dma_semaphore, #tpu.memory_space<semaphore_mem>>
      %dma_start3A_157 = tpu.memref_squeeze %dma_start3A_156 : memref<1x!tpu.dma_semaphore, #tpu.memory_space<semaphore_mem>> -> memref<!tpu.dma_semaphore, #tpu.memory_space<semaphore_mem>>
      %dma_start3A_158 = arith.constant 0 : i32
      %dma_start3A_159 = arith.constant 0 : i32
      %dma_start3A_160 = arith.constant 0 : i32
      %dma_start3A_161 = tpu.memref_slice %arg5[%dma_start3A_146, %dma_start3A_158, %dma_start3A_159, %dma_start3A_160] : memref<3x16x16x64xf32, #tpu.memory_space<vmem>> -> memref<1x16x16x64xf32, #tpu.memory_space<vmem>>
      %dma_start3A_162 = tpu.memref_squeeze %dma_start3A_161 : memref<1x16x16x64xf32, #tpu.memory_space<vmem>> -> memref<16x16x64xf32, #tpu.memory_space<vmem>>
      %dma_start3A_163 = arith.constant 0 : i32
      %dma_start3A_164 = arith.constant 0 : i32
      %dma_start3A_165 = tpu.memref_slice %arg3[%add3A_17, %dma_start3A_163, %dma_start3A_164] : memref<4096x16x64xf32, #tpu.memory_space<hbm>> -> memref<16x16x64xf32, #tpu.memory_space<hbm>>
      tpu.enqueue_dma source(%dma_start3A_165 : memref<16x16x64xf32, #tpu.memory_space<hbm>>) target(%dma_start3A_162 : memref<16x16x64xf32, #tpu.memory_space<vmem>>) target_semaphore(%dma_start3A_157 : memref<!tpu.dma_semaphore, #tpu.memory_space<semaphore_mem>>)
      %dma_wait3A_166 = arith.constant 1 : i32
      %dma_wait3A_167 = arith.constant 1 : i32
      %dma_wait3A_168 = arith.constant 0 : i32
      %dma_wait3A_169 = arith.constant 0 : i32
      %dma_wait3A_170 = arith.constant 0 : i32
      %dma_wait3A_171 = tpu.memref_slice %arg5[%dma_wait3A_166, %dma_wait3A_168, %dma_wait3A_169, %dma_wait3A_170] : memref<3x16x16x64xf32, #tpu.memory_space<vmem>> -> memref<1x16x16x64xf32, #tpu.memory_space<vmem>>
      %dma_wait3A_172 = tpu.memref_squeeze %dma_wait3A_171 : memref<1x16x16x64xf32, #tpu.memory_space<vmem>> -> memref<16x16x64xf32, #tpu.memory_space<vmem>>
      %dma_wait3A_173 = arith.constant 0 : i32
      %dma_wait3A_174 = arith.constant 0 : i32
      %dma_wait3A_175 = tpu.memref_slice %arg3[%add3A_13, %dma_wait3A_173, %dma_wait3A_174] : memref<4096x16x64xf32, #tpu.memory_space<hbm>> -> memref<16x16x64xf32, #tpu.memory_space<hbm>>
      %dma_wait3A_176 = tpu.memref_slice %arg6[%dma_wait3A_167] : memref<3x!tpu.dma_semaphore, #tpu.memory_space<semaphore_mem>> -> memref<1x!tpu.dma_semaphore, #tpu.memory_space<semaphore_mem>>
      %dma_wait3A_177 = tpu.memref_squeeze %dma_wait3A_176 : memref<1x!tpu.dma_semaphore, #tpu.memory_space<semaphore_mem>> -> memref<!tpu.dma_semaphore, #tpu.memory_space<semaphore_mem>>
      %dma_wait3A_178 = arith.constant 0 : i32
      %dma_wait3A_179 = arith.constant 0 : i32
      %dma_wait3A_180 = arith.constant 0 : i32
      %dma_wait3A_181 = tpu.memref_slice %arg5[%dma_wait3A_166, %dma_wait3A_178, %dma_wait3A_179, %dma_wait3A_180] : memref<3x16x16x64xf32, #tpu.memory_space<vmem>> -> memref<1x16x16x64xf32, #tpu.memory_space<vmem>>
      %dma_wait3A_182 = tpu.memref_squeeze %dma_wait3A_181 : memref<1x16x16x64xf32, #tpu.memory_space<vmem>> -> memref<16x16x64xf32, #tpu.memory_space<vmem>>
      %dma_wait3A_183 = arith.constant 0 : i32
      %dma_wait3A_184 = arith.constant 0 : i32
      %dma_wait3A_185 = tpu.memref_slice %arg3[%add3A_13, %dma_wait3A_183, %dma_wait3A_184] : memref<4096x16x64xf32, #tpu.memory_space<hbm>> -> memref<16x16x64xf32, #tpu.memory_space<hbm>>
      tpu.wait_dma2 semaphore(%dma_wait3A_177 : memref<!tpu.dma_semaphore, #tpu.memory_space<semaphore_mem>>) src(%dma_wait3A_185 : memref<16x16x64xf32, #tpu.memory_space<hbm>>) dst(%dma_wait3A_182 : memref<16x16x64xf32, #tpu.memory_space<vmem>>)
      %add3A_186 = arith.constant 16 : i32
      %add3A_187 = arith.addi %mul3A_2, %add3A_186 : i32
      %dma_start3A_188 = arith.constant 1 : i32
      %dma_start3A_189 = arith.constant 1 : i32
      %dma_start3A_190 = arith.constant 0 : i32
      %dma_start3A_191 = arith.constant 0 : i32
      %dma_start3A_192 = arith.constant 0 : i32
      %dma_start3A_193 = tpu.memref_slice %arg5[%dma_start3A_188, %dma_start3A_190, %dma_start3A_191, %dma_start3A_192] : memref<3x16x16x64xf32, #tpu.memory_space<vmem>> -> memref<1x16x16x64xf32, #tpu.memory_space<vmem>>
      %dma_start3A_194 = tpu.memref_squeeze %dma_start3A_193 : memref<1x16x16x64xf32, #tpu.memory_space<vmem>> -> memref<16x16x64xf32, #tpu.memory_space<vmem>>
      %dma_start3A_195 = arith.constant 0 : i32
      %dma_start3A_196 = arith.constant 0 : i32
      %dma_start3A_197 = tpu.memref_slice %arg4[%add3A_187, %dma_start3A_195, %dma_start3A_196] : memref<4096x16x64xf32, #tpu.memory_space<hbm>> -> memref<16x16x64xf32, #tpu.memory_space<hbm>>
      %dma_start3A_198 = tpu.memref_slice %arg7[%dma_start3A_189] : memref<3x!tpu.dma_semaphore, #tpu.memory_space<semaphore_mem>> -> memref<1x!tpu.dma_semaphore, #tpu.memory_space<semaphore_mem>>
      %dma_start3A_199 = tpu.memref_squeeze %dma_start3A_198 : memref<1x!tpu.dma_semaphore, #tpu.memory_space<semaphore_mem>> -> memref<!tpu.dma_semaphore, #tpu.memory_space<semaphore_mem>>
      %dma_start3A_200 = arith.constant 0 : i32
      %dma_start3A_201 = arith.constant 0 : i32
      %dma_start3A_202 = tpu.memref_slice %arg4[%add3A_187, %dma_start3A_200, %dma_start3A_201] : memref<4096x16x64xf32, #tpu.memory_space<hbm>> -> memref<16x16x64xf32, #tpu.memory_space<hbm>>
      %dma_start3A_203 = arith.constant 0 : i32
      %dma_start3A_204 = arith.constant 0 : i32
      %dma_start3A_205 = arith.constant 0 : i32
      %dma_start3A_206 = tpu.memref_slice %arg5[%dma_start3A_188, %dma_start3A_203, %dma_start3A_204, %dma_start3A_205] : memref<3x16x16x64xf32, #tpu.memory_space<vmem>> -> memref<1x16x16x64xf32, #tpu.memory_space<vmem>>
      %dma_start3A_207 = tpu.memref_squeeze %dma_start3A_206 : memref<1x16x16x64xf32, #tpu.memory_space<vmem>> -> memref<16x16x64xf32, #tpu.memory_space<vmem>>
      tpu.enqueue_dma source(%dma_start3A_207 : memref<16x16x64xf32, #tpu.memory_space<vmem>>) target(%dma_start3A_202 : memref<16x16x64xf32, #tpu.memory_space<hbm>>) target_semaphore(%dma_start3A_199 : memref<!tpu.dma_semaphore, #tpu.memory_space<semaphore_mem>>)
      %dma_wait3A_208 = arith.constant 1 : i32
      %dma_wait3A_209 = arith.constant 1 : i32
      %dma_wait3A_210 = arith.constant 0 : i32
      %dma_wait3A_211 = arith.constant 0 : i32
      %dma_wait3A_212 = arith.constant 0 : i32
      %dma_wait3A_213 = tpu.memref_slice %arg5[%dma_wait3A_208, %dma_wait3A_210, %dma_wait3A_211, %dma_wait3A_212] : memref<3x16x16x64xf32, #tpu.memory_space<vmem>> -> memref<1x16x16x64xf32, #tpu.memory_space<vmem>>
      %dma_wait3A_214 = tpu.memref_squeeze %dma_wait3A_213 : memref<1x16x16x64xf32, #tpu.memory_space<vmem>> -> memref<16x16x64xf32, #tpu.memory_space<vmem>>
      %dma_wait3A_215 = arith.constant 0 : i32
      %dma_wait3A_216 = arith.constant 0 : i32
      %dma_wait3A_217 = tpu.memref_slice %arg4[%add3A_187, %dma_wait3A_215, %dma_wait3A_216] : memref<4096x16x64xf32, #tpu.memory_space<hbm>> -> memref<16x16x64xf32, #tpu.memory_space<hbm>>
      %dma_wait3A_218 = tpu.memref_slice %arg7[%dma_wait3A_209] : memref<3x!tpu.dma_semaphore, #tpu.memory_space<semaphore_mem>> -> memref<1x!tpu.dma_semaphore, #tpu.memory_space<semaphore_mem>>
      %dma_wait3A_219 = tpu.memref_squeeze %dma_wait3A_218 : memref<1x!tpu.dma_semaphore, #tpu.memory_space<semaphore_mem>> -> memref<!tpu.dma_semaphore, #tpu.memory_space<semaphore_mem>>
      %dma_wait3A_220 = arith.constant 0 : i32
      %dma_wait3A_221 = arith.constant 0 : i32
      %dma_wait3A_222 = tpu.memref_slice %arg4[%add3A_187, %dma_wait3A_220, %dma_wait3A_221] : memref<4096x16x64xf32, #tpu.memory_space<hbm>> -> memref<16x16x64xf32, #tpu.memory_space<hbm>>
      %dma_wait3A_223 = arith.constant 0 : i32
      %dma_wait3A_224 = arith.constant 0 : i32
      %dma_wait3A_225 = arith.constant 0 : i32
      %dma_wait3A_226 = tpu.memref_slice %arg5[%dma_wait3A_208, %dma_wait3A_223, %dma_wait3A_224, %dma_wait3A_225] : memref<3x16x16x64xf32, #tpu.memory_space<vmem>> -> memref<1x16x16x64xf32, #tpu.memory_space<vmem>>
      %dma_wait3A_227 = tpu.memref_squeeze %dma_wait3A_226 : memref<1x16x16x64xf32, #tpu.memory_space<vmem>> -> memref<16x16x64xf32, #tpu.memory_space<vmem>>
      tpu.wait_dma2 semaphore(%dma_wait3A_219 : memref<!tpu.dma_semaphore, #tpu.memory_space<semaphore_mem>>) src(%dma_wait3A_227 : memref<16x16x64xf32, #tpu.memory_space<vmem>>) dst(%dma_wait3A_222 : memref<16x16x64xf32, #tpu.memory_space<hbm>>)
      %dma_start3A_228 = arith.constant 1 : i32
      %dma_start3A_229 = arith.constant 1 : i32
      %dma_start3A_230 = arith.constant 0 : i32
      %dma_start3A_231 = arith.constant 0 : i32
      %dma_start3A_232 = arith.constant 0 : i32
      %dma_start3A_233 = tpu.memref_slice %arg5[%dma_start3A_228, %dma_start3A_230, %dma_start3A_231, %dma_start3A_232] : memref<3x16x16x64xf32, #tpu.memory_space<vmem>> -> memref<1x16x16x64xf32, #tpu.memory_space<vmem>>
      %dma_start3A_234 = tpu.memref_squeeze %dma_start3A_233 : memref<1x16x16x64xf32, #tpu.memory_space<vmem>> -> memref<16x16x64xf32, #tpu.memory_space<vmem>>
      %dma_start3A_235 = arith.constant 0 : i32
      %dma_start3A_236 = arith.constant 0 : i32
      %dma_start3A_237 = tpu.memref_slice %arg3[%add3A_19, %dma_start3A_235, %dma_start3A_236] : memref<4096x16x64xf32, #tpu.memory_space<hbm>> -> memref<16x16x64xf32, #tpu.memory_space<hbm>>
      %dma_start3A_238 = tpu.memref_slice %arg6[%dma_start3A_229] : memref<3x!tpu.dma_semaphore, #tpu.memory_space<semaphore_mem>> -> memref<1x!tpu.dma_semaphore, #tpu.memory_space<semaphore_mem>>
      %dma_start3A_239 = tpu.memref_squeeze %dma_start3A_238 : memref<1x!tpu.dma_semaphore, #tpu.memory_space<semaphore_mem>> -> memref<!tpu.dma_semaphore, #tpu.memory_space<semaphore_mem>>
      %dma_start3A_240 = arith.constant 0 : i32
      %dma_start3A_241 = arith.constant 0 : i32
      %dma_start3A_242 = arith.constant 0 : i32
      %dma_start3A_243 = tpu.memref_slice %arg5[%dma_start3A_228, %dma_start3A_240, %dma_start3A_241, %dma_start3A_242] : memref<3x16x16x64xf32, #tpu.memory_space<vmem>> -> memref<1x16x16x64xf32, #tpu.memory_space<vmem>>
      %dma_start3A_244 = tpu.memref_squeeze %dma_start3A_243 : memref<1x16x16x64xf32, #tpu.memory_space<vmem>> -> memref<16x16x64xf32, #tpu.memory_space<vmem>>
      %dma_start3A_245 = arith.constant 0 : i32
      %dma_start3A_246 = arith.constant 0 : i32
      %dma_start3A_247 = tpu.memref_slice %arg3[%add3A_19, %dma_start3A_245, %dma_start3A_246] : memref<4096x16x64xf32, #tpu.memory_space<hbm>> -> memref<16x16x64xf32, #tpu.memory_space<hbm>>
      tpu.enqueue_dma source(%dma_start3A_247 : memref<16x16x64xf32, #tpu.memory_space<hbm>>) target(%dma_start3A_244 : memref<16x16x64xf32, #tpu.memory_space<vmem>>) target_semaphore(%dma_start3A_239 : memref<!tpu.dma_semaphore, #tpu.memory_space<semaphore_mem>>)
      %dma_wait3A_248 = arith.constant 2 : i32
      %dma_wait3A_249 = arith.constant 2 : i32
      %dma_wait3A_250 = arith.constant 0 : i32
      %dma_wait3A_251 = arith.constant 0 : i32
      %dma_wait3A_252 = arith.constant 0 : i32
      %dma_wait3A_253 = tpu.memref_slice %arg5[%dma_wait3A_248, %dma_wait3A_250, %dma_wait3A_251, %dma_wait3A_252] : memref<3x16x16x64xf32, #tpu.memory_space<vmem>> -> memref<1x16x16x64xf32, #tpu.memory_space<vmem>>
      %dma_wait3A_254 = tpu.memref_squeeze %dma_wait3A_253 : memref<1x16x16x64xf32, #tpu.memory_space<vmem>> -> memref<16x16x64xf32, #tpu.memory_space<vmem>>
      %dma_wait3A_255 = arith.constant 0 : i32
      %dma_wait3A_256 = arith.constant 0 : i32
      %dma_wait3A_257 = tpu.memref_slice %arg3[%add3A_15, %dma_wait3A_255, %dma_wait3A_256] : memref<4096x16x64xf32, #tpu.memory_space<hbm>> -> memref<16x16x64xf32, #tpu.memory_space<hbm>>
      %dma_wait3A_258 = tpu.memref_slice %arg6[%dma_wait3A_249] : memref<3x!tpu.dma_semaphore, #tpu.memory_space<semaphore_mem>> -> memref<1x!tpu.dma_semaphore, #tpu.memory_space<semaphore_mem>>
      %dma_wait3A_259 = tpu.memref_squeeze %dma_wait3A_258 : memref<1x!tpu.dma_semaphore, #tpu.memory_space<semaphore_mem>> -> memref<!tpu.dma_semaphore, #tpu.memory_space<semaphore_mem>>
      %dma_wait3A_260 = arith.constant 0 : i32
      %dma_wait3A_261 = arith.constant 0 : i32
      %dma_wait3A_262 = arith.constant 0 : i32
      %dma_wait3A_263 = tpu.memref_slice %arg5[%dma_wait3A_248, %dma_wait3A_260, %dma_wait3A_261, %dma_wait3A_262] : memref<3x16x16x64xf32, #tpu.memory_space<vmem>> -> memref<1x16x16x64xf32, #tpu.memory_space<vmem>>
      %dma_wait3A_264 = tpu.memref_squeeze %dma_wait3A_263 : memref<1x16x16x64xf32, #tpu.memory_space<vmem>> -> memref<16x16x64xf32, #tpu.memory_space<vmem>>
      %dma_wait3A_265 = arith.constant 0 : i32
      %dma_wait3A_266 = arith.constant 0 : i32
      %dma_wait3A_267 = tpu.memref_slice %arg3[%add3A_15, %dma_wait3A_265, %dma_wait3A_266] : memref<4096x16x64xf32, #tpu.memory_space<hbm>> -> memref<16x16x64xf32, #tpu.memory_space<hbm>>
      tpu.wait_dma2 semaphore(%dma_wait3A_259 : memref<!tpu.dma_semaphore, #tpu.memory_space<semaphore_mem>>) src(%dma_wait3A_267 : memref<16x16x64xf32, #tpu.memory_space<hbm>>) dst(%dma_wait3A_264 : memref<16x16x64xf32, #tpu.memory_space<vmem>>)
      %add3A_268 = arith.constant 32 : i32
      %add3A_269 = arith.addi %mul3A_2, %add3A_268 : i32
      %dma_start3A_270 = arith.constant 2 : i32
      %dma_start3A_271 = arith.constant 2 : i32
      %dma_start3A_272 = arith.constant 0 : i32
      %dma_start3A_273 = arith.constant 0 : i32
      %dma_start3A_274 = arith.constant 0 : i32
      %dma_start3A_275 = tpu.memref_slice %arg5[%dma_start3A_270, %dma_start3A_272, %dma_start3A_273, %dma_start3A_274] : memref<3x16x16x64xf32, #tpu.memory_space<vmem>> -> memref<1x16x16x64xf32, #tpu.memory_space<vmem>>
      %dma_start3A_276 = tpu.memref_squeeze %dma_start3A_275 : memref<1x16x16x64xf32, #tpu.memory_space<vmem>> -> memref<16x16x64xf32, #tpu.memory_space<vmem>>
      %dma_start3A_277 = arith.constant 0 : i32
      %dma_start3A_278 = arith.constant 0 : i32
      %dma_start3A_279 = tpu.memref_slice %arg4[%add3A_269, %dma_start3A_277, %dma_start3A_278] : memref<4096x16x64xf32, #tpu.memory_space<hbm>> -> memref<16x16x64xf32, #tpu.memory_space<hbm>>
      %dma_start3A_280 = tpu.memref_slice %arg7[%dma_start3A_271] : memref<3x!tpu.dma_semaphore, #tpu.memory_space<semaphore_mem>> -> memref<1x!tpu.dma_semaphore, #tpu.memory_space<semaphore_mem>>
      %dma_start3A_281 = tpu.memref_squeeze %dma_start3A_280 : memref<1x!tpu.dma_semaphore, #tpu.memory_space<semaphore_mem>> -> memref<!tpu.dma_semaphore, #tpu.memory_space<semaphore_mem>>
      %dma_start3A_282 = arith.constant 0 : i32
      %dma_start3A_283 = arith.constant 0 : i32
      %dma_start3A_284 = tpu.memref_slice %arg4[%add3A_269, %dma_start3A_282, %dma_start3A_283] : memref<4096x16x64xf32, #tpu.memory_space<hbm>> -> memref<16x16x64xf32, #tpu.memory_space<hbm>>
      %dma_start3A_285 = arith.constant 0 : i32
      %dma_start3A_286 = arith.constant 0 : i32
      %dma_start3A_287 = arith.constant 0 : i32
      %dma_start3A_288 = tpu.memref_slice %arg5[%dma_start3A_270, %dma_start3A_285, %dma_start3A_286, %dma_start3A_287] : memref<3x16x16x64xf32, #tpu.memory_space<vmem>> -> memref<1x16x16x64xf32, #tpu.memory_space<vmem>>
      %dma_start3A_289 = tpu.memref_squeeze %dma_start3A_288 : memref<1x16x16x64xf32, #tpu.memory_space<vmem>> -> memref<16x16x64xf32, #tpu.memory_space<vmem>>
      tpu.enqueue_dma source(%dma_start3A_289 : memref<16x16x64xf32, #tpu.memory_space<vmem>>) target(%dma_start3A_284 : memref<16x16x64xf32, #tpu.memory_space<hbm>>) target_semaphore(%dma_start3A_281 : memref<!tpu.dma_semaphore, #tpu.memory_space<semaphore_mem>>)
      %dma_wait3A_290 = arith.constant 2 : i32
      %dma_wait3A_291 = arith.constant 2 : i32
      %dma_wait3A_292 = arith.constant 0 : i32
      %dma_wait3A_293 = arith.constant 0 : i32
      %dma_wait3A_294 = arith.constant 0 : i32
      %dma_wait3A_295 = tpu.memref_slice %arg5[%dma_wait3A_290, %dma_wait3A_292, %dma_wait3A_293, %dma_wait3A_294] : memref<3x16x16x64xf32, #tpu.memory_space<vmem>> -> memref<1x16x16x64xf32, #tpu.memory_space<vmem>>
      %dma_wait3A_296 = tpu.memref_squeeze %dma_wait3A_295 : memref<1x16x16x64xf32, #tpu.memory_space<vmem>> -> memref<16x16x64xf32, #tpu.memory_space<vmem>>
      %dma_wait3A_297 = arith.constant 0 : i32
      %dma_wait3A_298 = arith.constant 0 : i32
      %dma_wait3A_299 = tpu.memref_slice %arg4[%add3A_269, %dma_wait3A_297, %dma_wait3A_298] : memref<4096x16x64xf32, #tpu.memory_space<hbm>> -> memref<16x16x64xf32, #tpu.memory_space<hbm>>
      %dma_wait3A_300 = tpu.memref_slice %arg7[%dma_wait3A_291] : memref<3x!tpu.dma_semaphore, #tpu.memory_space<semaphore_mem>> -> memref<1x!tpu.dma_semaphore, #tpu.memory_space<semaphore_mem>>
      %dma_wait3A_301 = tpu.memref_squeeze %dma_wait3A_300 : memref<1x!tpu.dma_semaphore, #tpu.memory_space<semaphore_mem>> -> memref<!tpu.dma_semaphore, #tpu.memory_space<semaphore_mem>>
      %dma_wait3A_302 = arith.constant 0 : i32
      %dma_wait3A_303 = arith.constant 0 : i32
      %dma_wait3A_304 = tpu.memref_slice %arg4[%add3A_269, %dma_wait3A_302, %dma_wait3A_303] : memref<4096x16x64xf32, #tpu.memory_space<hbm>> -> memref<16x16x64xf32, #tpu.memory_space<hbm>>
      %dma_wait3A_305 = arith.constant 0 : i32
      %dma_wait3A_306 = arith.constant 0 : i32
      %dma_wait3A_307 = arith.constant 0 : i32
      %dma_wait3A_308 = tpu.memref_slice %arg5[%dma_wait3A_290, %dma_wait3A_305, %dma_wait3A_306, %dma_wait3A_307] : memref<3x16x16x64xf32, #tpu.memory_space<vmem>> -> memref<1x16x16x64xf32, #tpu.memory_space<vmem>>
      %dma_wait3A_309 = tpu.memref_squeeze %dma_wait3A_308 : memref<1x16x16x64xf32, #tpu.memory_space<vmem>> -> memref<16x16x64xf32, #tpu.memory_space<vmem>>
      tpu.wait_dma2 semaphore(%dma_wait3A_301 : memref<!tpu.dma_semaphore, #tpu.memory_space<semaphore_mem>>) src(%dma_wait3A_309 : memref<16x16x64xf32, #tpu.memory_space<vmem>>) dst(%dma_wait3A_304 : memref<16x16x64xf32, #tpu.memory_space<hbm>>)
      %dma_start3A_310 = arith.constant 2 : i32
      %dma_start3A_311 = arith.constant 2 : i32
      %dma_start3A_312 = arith.constant 0 : i32
      %dma_start3A_313 = arith.constant 0 : i32
      %dma_start3A_314 = arith.constant 0 : i32
      %dma_start3A_315 = tpu.memref_slice %arg5[%dma_start3A_310, %dma_start3A_312, %dma_start3A_313, %dma_start3A_314] : memref<3x16x16x64xf32, #tpu.memory_space<vmem>> -> memref<1x16x16x64xf32, #tpu.memory_space<vmem>>
      %dma_start3A_316 = tpu.memref_squeeze %dma_start3A_315 : memref<1x16x16x64xf32, #tpu.memory_space<vmem>> -> memref<16x16x64xf32, #tpu.memory_space<vmem>>
      %dma_start3A_317 = arith.constant 0 : i32
      %dma_start3A_318 = arith.constant 0 : i32
      %dma_start3A_319 = tpu.memref_slice %arg3[%add3A_21, %dma_start3A_317, %dma_start3A_318] : memref<4096x16x64xf32, #tpu.memory_space<hbm>> -> memref<16x16x64xf32, #tpu.memory_space<hbm>>
      %dma_start3A_320 = tpu.memref_slice %arg6[%dma_start3A_311] : memref<3x!tpu.dma_semaphore, #tpu.memory_space<semaphore_mem>> -> memref<1x!tpu.dma_semaphore, #tpu.memory_space<semaphore_mem>>
      %dma_start3A_321 = tpu.memref_squeeze %dma_start3A_320 : memref<1x!tpu.dma_semaphore, #tpu.memory_space<semaphore_mem>> -> memref<!tpu.dma_semaphore, #tpu.memory_space<semaphore_mem>>
      %dma_start3A_322 = arith.constant 0 : i32
      %dma_start3A_323 = arith.constant 0 : i32
      %dma_start3A_324 = arith.constant 0 : i32
      %dma_start3A_325 = tpu.memref_slice %arg5[%dma_start3A_310, %dma_start3A_322, %dma_start3A_323, %dma_start3A_324] : memref<3x16x16x64xf32, #tpu.memory_space<vmem>> -> memref<1x16x16x64xf32, #tpu.memory_space<vmem>>
      %dma_start3A_326 = tpu.memref_squeeze %dma_start3A_325 : memref<1x16x16x64xf32, #tpu.memory_space<vmem>> -> memref<16x16x64xf32, #tpu.memory_space<vmem>>
      %dma_start3A_327 = arith.constant 0 : i32
      %dma_start3A_328 = arith.constant 0 : i32
      %dma_start3A_329 = tpu.memref_slice %arg3[%add3A_21, %dma_start3A_327, %dma_start3A_328] : memref<4096x16x64xf32, #tpu.memory_space<hbm>> -> memref<16x16x64xf32, #tpu.memory_space<hbm>>
      tpu.enqueue_dma source(%dma_start3A_329 : memref<16x16x64xf32, #tpu.memory_space<hbm>>) target(%dma_start3A_326 : memref<16x16x64xf32, #tpu.memory_space<vmem>>) target_semaphore(%dma_start3A_321 : memref<!tpu.dma_semaphore, #tpu.memory_space<semaphore_mem>>)
      %dma_wait3A_330 = arith.constant 0 : i32
      %dma_wait3A_331 = arith.constant 0 : i32
      %dma_wait3A_332 = arith.constant 0 : i32
      %dma_wait3A_333 = arith.constant 0 : i32
      %dma_wait3A_334 = arith.constant 0 : i32
      %dma_wait3A_335 = tpu.memref_slice %arg5[%dma_wait3A_330, %dma_wait3A_332, %dma_wait3A_333, %dma_wait3A_334] : memref<3x16x16x64xf32, #tpu.memory_space<vmem>> -> memref<1x16x16x64xf32, #tpu.memory_space<vmem>>
      %dma_wait3A_336 = tpu.memref_squeeze %dma_wait3A_335 : memref<1x16x16x64xf32, #tpu.memory_space<vmem>> -> memref<16x16x64xf32, #tpu.memory_space<vmem>>
      %dma_wait3A_337 = arith.constant 0 : i32
      %dma_wait3A_338 = arith.constant 0 : i32
      %dma_wait3A_339 = tpu.memref_slice %arg3[%add3A_17, %dma_wait3A_337, %dma_wait3A_338] : memref<4096x16x64xf32, #tpu.memory_space<hbm>> -> memref<16x16x64xf32, #tpu.memory_space<hbm>>
      %dma_wait3A_340 = tpu.memref_slice %arg6[%dma_wait3A_331] : memref<3x!tpu.dma_semaphore, #tpu.memory_space<semaphore_mem>> -> memref<1x!tpu.dma_semaphore, #tpu.memory_space<semaphore_mem>>
      %dma_wait3A_341 = tpu.memref_squeeze %dma_wait3A_340 : memref<1x!tpu.dma_semaphore, #tpu.memory_space<semaphore_mem>> -> memref<!tpu.dma_semaphore, #tpu.memory_space<semaphore_mem>>
      %dma_wait3A_342 = arith.constant 0 : i32
      %dma_wait3A_343 = arith.constant 0 : i32
      %dma_wait3A_344 = arith.constant 0 : i32
      %dma_wait3A_345 = tpu.memref_slice %arg5[%dma_wait3A_330, %dma_wait3A_342, %dma_wait3A_343, %dma_wait3A_344] : memref<3x16x16x64xf32, #tpu.memory_space<vmem>> -> memref<1x16x16x64xf32, #tpu.memory_space<vmem>>
      %dma_wait3A_346 = tpu.memref_squeeze %dma_wait3A_345 : memref<1x16x16x64xf32, #tpu.memory_space<vmem>> -> memref<16x16x64xf32, #tpu.memory_space<vmem>>
      %dma_wait3A_347 = arith.constant 0 : i32
      %dma_wait3A_348 = arith.constant 0 : i32
      %dma_wait3A_349 = tpu.memref_slice %arg3[%add3A_17, %dma_wait3A_347, %dma_wait3A_348] : memref<4096x16x64xf32, #tpu.memory_space<hbm>> -> memref<16x16x64xf32, #tpu.memory_space<hbm>>
      tpu.wait_dma2 semaphore(%dma_wait3A_341 : memref<!tpu.dma_semaphore, #tpu.memory_space<semaphore_mem>>) src(%dma_wait3A_349 : memref<16x16x64xf32, #tpu.memory_space<hbm>>) dst(%dma_wait3A_346 : memref<16x16x64xf32, #tpu.memory_space<vmem>>)
      %add3A_350 = arith.constant 48 : i32
      %add3A_351 = arith.addi %mul3A_2, %add3A_350 : i32
      %dma_start3A_352 = arith.constant 0 : i32
      %dma_start3A_353 = arith.constant 0 : i32
      %dma_start3A_354 = arith.constant 0 : i32
      %dma_start3A_355 = arith.constant 0 : i32
      %dma_start3A_356 = arith.constant 0 : i32
      %dma_start3A_357 = tpu.memref_slice %arg5[%dma_start3A_352, %dma_start3A_354, %dma_start3A_355, %dma_start3A_356] : memref<3x16x16x64xf32, #tpu.memory_space<vmem>> -> memref<1x16x16x64xf32, #tpu.memory_space<vmem>>
      %dma_start3A_358 = tpu.memref_squeeze %dma_start3A_357 : memref<1x16x16x64xf32, #tpu.memory_space<vmem>> -> memref<16x16x64xf32, #tpu.memory_space<vmem>>
      %dma_start3A_359 = arith.constant 0 : i32
      %dma_start3A_360 = arith.constant 0 : i32
      %dma_start3A_361 = tpu.memref_slice %arg4[%add3A_351, %dma_start3A_359, %dma_start3A_360] : memref<4096x16x64xf32, #tpu.memory_space<hbm>> -> memref<16x16x64xf32, #tpu.memory_space<hbm>>
      %dma_start3A_362 = tpu.memref_slice %arg7[%dma_start3A_353] : memref<3x!tpu.dma_semaphore, #tpu.memory_space<semaphore_mem>> -> memref<1x!tpu.dma_semaphore, #tpu.memory_space<semaphore_mem>>
      %dma_start3A_363 = tpu.memref_squeeze %dma_start3A_362 : memref<1x!tpu.dma_semaphore, #tpu.memory_space<semaphore_mem>> -> memref<!tpu.dma_semaphore, #tpu.memory_space<semaphore_mem>>
      %dma_start3A_364 = arith.constant 0 : i32
      %dma_start3A_365 = arith.constant 0 : i32
      %dma_start3A_366 = tpu.memref_slice %arg4[%add3A_351, %dma_start3A_364, %dma_start3A_365] : memref<4096x16x64xf32, #tpu.memory_space<hbm>> -> memref<16x16x64xf32, #tpu.memory_space<hbm>>
      %dma_start3A_367 = arith.constant 0 : i32
      %dma_start3A_368 = arith.constant 0 : i32
      %dma_start3A_369 = arith.constant 0 : i32
      %dma_start3A_370 = tpu.memref_slice %arg5[%dma_start3A_352, %dma_start3A_367, %dma_start3A_368, %dma_start3A_369] : memref<3x16x16x64xf32, #tpu.memory_space<vmem>> -> memref<1x16x16x64xf32, #tpu.memory_space<vmem>>
      %dma_start3A_371 = tpu.memref_squeeze %dma_start3A_370 : memref<1x16x16x64xf32, #tpu.memory_space<vmem>> -> memref<16x16x64xf32, #tpu.memory_space<vmem>>
      tpu.enqueue_dma source(%dma_start3A_371 : memref<16x16x64xf32, #tpu.memory_space<vmem>>) target(%dma_start3A_366 : memref<16x16x64xf32, #tpu.memory_space<hbm>>) target_semaphore(%dma_start3A_363 : memref<!tpu.dma_semaphore, #tpu.memory_space<semaphore_mem>>)
      %dma_wait3A_372 = arith.constant 0 : i32
      %dma_wait3A_373 = arith.constant 0 : i32
      %dma_wait3A_374 = arith.constant 0 : i32
      %dma_wait3A_375 = arith.constant 0 : i32
      %dma_wait3A_376 = arith.constant 0 : i32
      %dma_wait3A_377 = tpu.memref_slice %arg5[%dma_wait3A_372, %dma_wait3A_374, %dma_wait3A_375, %dma_wait3A_376] : memref<3x16x16x64xf32, #tpu.memory_space<vmem>> -> memref<1x16x16x64xf32, #tpu.memory_space<vmem>>
      %dma_wait3A_378 = tpu.memref_squeeze %dma_wait3A_377 : memref<1x16x16x64xf32, #tpu.memory_space<vmem>> -> memref<16x16x64xf32, #tpu.memory_space<vmem>>
      %dma_wait3A_379 = arith.constant 0 : i32
      %dma_wait3A_380 = arith.constant 0 : i32
      %dma_wait3A_381 = tpu.memref_slice %arg4[%add3A_351, %dma_wait3A_379, %dma_wait3A_380] : memref<4096x16x64xf32, #tpu.memory_space<hbm>> -> memref<16x16x64xf32, #tpu.memory_space<hbm>>
      %dma_wait3A_382 = tpu.memref_slice %arg7[%dma_wait3A_373] : memref<3x!tpu.dma_semaphore, #tpu.memory_space<semaphore_mem>> -> memref<1x!tpu.dma_semaphore, #tpu.memory_space<semaphore_mem>>
      %dma_wait3A_383 = tpu.memref_squeeze %dma_wait3A_382 : memref<1x!tpu.dma_semaphore, #tpu.memory_space<semaphore_mem>> -> memref<!tpu.dma_semaphore, #tpu.memory_space<semaphore_mem>>
      %dma_wait3A_384 = arith.constant 0 : i32
      %dma_wait3A_385 = arith.constant 0 : i32
      %dma_wait3A_386 = tpu.memref_slice %arg4[%add3A_351, %dma_wait3A_384, %dma_wait3A_385] : memref<4096x16x64xf32, #tpu.memory_space<hbm>> -> memref<16x16x64xf32, #tpu.memory_space<hbm>>
      %dma_wait3A_387 = arith.constant 0 : i32
      %dma_wait3A_388 = arith.constant 0 : i32
      %dma_wait3A_389 = arith.constant 0 : i32
      %dma_wait3A_390 = tpu.memref_slice %arg5[%dma_wait3A_372, %dma_wait3A_387, %dma_wait3A_388, %dma_wait3A_389] : memref<3x16x16x64xf32, #tpu.memory_space<vmem>> -> memref<1x16x16x64xf32, #tpu.memory_space<vmem>>
      %dma_wait3A_391 = tpu.memref_squeeze %dma_wait3A_390 : memref<1x16x16x64xf32, #tpu.memory_space<vmem>> -> memref<16x16x64xf32, #tpu.memory_space<vmem>>
      tpu.wait_dma2 semaphore(%dma_wait3A_383 : memref<!tpu.dma_semaphore, #tpu.memory_space<semaphore_mem>>) src(%dma_wait3A_391 : memref<16x16x64xf32, #tpu.memory_space<vmem>>) dst(%dma_wait3A_386 : memref<16x16x64xf32, #tpu.memory_space<hbm>>)
      %dma_start3A_392 = arith.constant 0 : i32
      %dma_start3A_393 = arith.constant 0 : i32
      %dma_start3A_394 = arith.constant 0 : i32
      %dma_start3A_395 = arith.constant 0 : i32
      %dma_start3A_396 = arith.constant 0 : i32
      %dma_start3A_397 = tpu.memref_slice %arg5[%dma_start3A_392, %dma_start3A_394, %dma_start3A_395, %dma_start3A_396] : memref<3x16x16x64xf32, #tpu.memory_space<vmem>> -> memref<1x16x16x64xf32, #tpu.memory_space<vmem>>
      %dma_start3A_398 = tpu.memref_squeeze %dma_start3A_397 : memref<1x16x16x64xf32, #tpu.memory_space<vmem>> -> memref<16x16x64xf32, #tpu.memory_space<vmem>>
      %dma_start3A_399 = arith.constant 0 : i32
      %dma_start3A_400 = arith.constant 0 : i32
      %dma_start3A_401 = tpu.memref_slice %arg3[%add3A_23, %dma_start3A_399, %dma_start3A_400] : memref<4096x16x64xf32, #tpu.memory_space<hbm>> -> memref<16x16x64xf32, #tpu.memory_space<hbm>>
      %dma_start3A_402 = tpu.memref_slice %arg6[%dma_start3A_393] : memref<3x!tpu.dma_semaphore, #tpu.memory_space<semaphore_mem>> -> memref<1x!tpu.dma_semaphore, #tpu.memory_space<semaphore_mem>>
      %dma_start3A_403 = tpu.memref_squeeze %dma_start3A_402 : memref<1x!tpu.dma_semaphore, #tpu.memory_space<semaphore_mem>> -> memref<!tpu.dma_semaphore, #tpu.memory_space<semaphore_mem>>
      %dma_start3A_404 = arith.constant 0 : i32
      %dma_start3A_405 = arith.constant 0 : i32
      %dma_start3A_406 = arith.constant 0 : i32
      %dma_start3A_407 = tpu.memref_slice %arg5[%dma_start3A_392, %dma_start3A_404, %dma_start3A_405, %dma_start3A_406] : memref<3x16x16x64xf32, #tpu.memory_space<vmem>> -> memref<1x16x16x64xf32, #tpu.memory_space<vmem>>
      %dma_start3A_408 = tpu.memref_squeeze %dma_start3A_407 : memref<1x16x16x64xf32, #tpu.memory_space<vmem>> -> memref<16x16x64xf32, #tpu.memory_space<vmem>>
      %dma_start3A_409 = arith.constant 0 : i32
      %dma_start3A_410 = arith.constant 0 : i32
      %dma_start3A_411 = tpu.memref_slice %arg3[%add3A_23, %dma_start3A_409, %dma_start3A_410] : memref<4096x16x64xf32, #tpu.memory_space<hbm>> -> memref<16x16x64xf32, #tpu.memory_space<hbm>>
      tpu.enqueue_dma source(%dma_start3A_411 : memref<16x16x64xf32, #tpu.memory_space<hbm>>) target(%dma_start3A_408 : memref<16x16x64xf32, #tpu.memory_space<vmem>>) target_semaphore(%dma_start3A_403 : memref<!tpu.dma_semaphore, #tpu.memory_space<semaphore_mem>>)
      %dma_wait3A_412 = arith.constant 1 : i32
      %dma_wait3A_413 = arith.constant 1 : i32
      %dma_wait3A_414 = arith.constant 0 : i32
      %dma_wait3A_415 = arith.constant 0 : i32
      %dma_wait3A_416 = arith.constant 0 : i32
      %dma_wait3A_417 = tpu.memref_slice %arg5[%dma_wait3A_412, %dma_wait3A_414, %dma_wait3A_415, %dma_wait3A_416] : memref<3x16x16x64xf32, #tpu.memory_space<vmem>> -> memref<1x16x16x64xf32, #tpu.memory_space<vmem>>
      %dma_wait3A_418 = tpu.memref_squeeze %dma_wait3A_417 : memref<1x16x16x64xf32, #tpu.memory_space<vmem>> -> memref<16x16x64xf32, #tpu.memory_space<vmem>>
      %dma_wait3A_419 = arith.constant 0 : i32
      %dma_wait3A_420 = arith.constant 0 : i32
      %dma_wait3A_421 = tpu.memref_slice %arg3[%add3A_19, %dma_wait3A_419, %dma_wait3A_420] : memref<4096x16x64xf32, #tpu.memory_space<hbm>> -> memref<16x16x64xf32, #tpu.memory_space<hbm>>
      %dma_wait3A_422 = tpu.memref_slice %arg6[%dma_wait3A_413] : memref<3x!tpu.dma_semaphore, #tpu.memory_space<semaphore_mem>> -> memref<1x!tpu.dma_semaphore, #tpu.memory_space<semaphore_mem>>
      %dma_wait3A_423 = tpu.memref_squeeze %dma_wait3A_422 : memref<1x!tpu.dma_semaphore, #tpu.memory_space<semaphore_mem>> -> memref<!tpu.dma_semaphore, #tpu.memory_space<semaphore_mem>>
      %dma_wait3A_424 = arith.constant 0 : i32
      %dma_wait3A_425 = arith.constant 0 : i32
      %dma_wait3A_426 = arith.constant 0 : i32
      %dma_wait3A_427 = tpu.memref_slice %arg5[%dma_wait3A_412, %dma_wait3A_424, %dma_wait3A_425, %dma_wait3A_426] : memref<3x16x16x64xf32, #tpu.memory_space<vmem>> -> memref<1x16x16x64xf32, #tpu.memory_space<vmem>>
      %dma_wait3A_428 = tpu.memref_squeeze %dma_wait3A_427 : memref<1x16x16x64xf32, #tpu.memory_space<vmem>> -> memref<16x16x64xf32, #tpu.memory_space<vmem>>
      %dma_wait3A_429 = arith.constant 0 : i32
      %dma_wait3A_430 = arith.constant 0 : i32
      %dma_wait3A_431 = tpu.memref_slice %arg3[%add3A_19, %dma_wait3A_429, %dma_wait3A_430] : memref<4096x16x64xf32, #tpu.memory_space<hbm>> -> memref<16x16x64xf32, #tpu.memory_space<hbm>>
      tpu.wait_dma2 semaphore(%dma_wait3A_423 : memref<!tpu.dma_semaphore, #tpu.memory_space<semaphore_mem>>) src(%dma_wait3A_431 : memref<16x16x64xf32, #tpu.memory_space<hbm>>) dst(%dma_wait3A_428 : memref<16x16x64xf32, #tpu.memory_space<vmem>>)
      %add3A_432 = arith.constant 64 : i32
      %add3A_433 = arith.addi %mul3A_2, %add3A_432 : i32
      %dma_start3A_434 = arith.constant 1 : i32
      %dma_start3A_435 = arith.constant 1 : i32
      %dma_start3A_436 = arith.constant 0 : i32
      %dma_start3A_437 = arith.constant 0 : i32
      %dma_start3A_438 = arith.constant 0 : i32
      %dma_start3A_439 = tpu.memref_slice %arg5[%dma_start3A_434, %dma_start3A_436, %dma_start3A_437, %dma_start3A_438] : memref<3x16x16x64xf32, #tpu.memory_space<vmem>> -> memref<1x16x16x64xf32, #tpu.memory_space<vmem>>
      %dma_start3A_440 = tpu.memref_squeeze %dma_start3A_439 : memref<1x16x16x64xf32, #tpu.memory_space<vmem>> -> memref<16x16x64xf32, #tpu.memory_space<vmem>>
      %dma_start3A_441 = arith.constant 0 : i32
      %dma_start3A_442 = arith.constant 0 : i32
      %dma_start3A_443 = tpu.memref_slice %arg4[%add3A_433, %dma_start3A_441, %dma_start3A_442] : memref<4096x16x64xf32, #tpu.memory_space<hbm>> -> memref<16x16x64xf32, #tpu.memory_space<hbm>>
      %dma_start3A_444 = tpu.memref_slice %arg7[%dma_start3A_435] : memref<3x!tpu.dma_semaphore, #tpu.memory_space<semaphore_mem>> -> memref<1x!tpu.dma_semaphore, #tpu.memory_space<semaphore_mem>>
      %dma_start3A_445 = tpu.memref_squeeze %dma_start3A_444 : memref<1x!tpu.dma_semaphore, #tpu.memory_space<semaphore_mem>> -> memref<!tpu.dma_semaphore, #tpu.memory_space<semaphore_mem>>
      %dma_start3A_446 = arith.constant 0 : i32
      %dma_start3A_447 = arith.constant 0 : i32
      %dma_start3A_448 = tpu.memref_slice %arg4[%add3A_433, %dma_start3A_446, %dma_start3A_447] : memref<4096x16x64xf32, #tpu.memory_space<hbm>> -> memref<16x16x64xf32, #tpu.memory_space<hbm>>
      %dma_start3A_449 = arith.constant 0 : i32
      %dma_start3A_450 = arith.constant 0 : i32
      %dma_start3A_451 = arith.constant 0 : i32
      %dma_start3A_452 = tpu.memref_slice %arg5[%dma_start3A_434, %dma_start3A_449, %dma_start3A_450, %dma_start3A_451] : memref<3x16x16x64xf32, #tpu.memory_space<vmem>> -> memref<1x16x16x64xf32, #tpu.memory_space<vmem>>
      %dma_start3A_453 = tpu.memref_squeeze %dma_start3A_452 : memref<1x16x16x64xf32, #tpu.memory_space<vmem>> -> memref<16x16x64xf32, #tpu.memory_space<vmem>>
      tpu.enqueue_dma source(%dma_start3A_453 : memref<16x16x64xf32, #tpu.memory_space<vmem>>) target(%dma_start3A_448 : memref<16x16x64xf32, #tpu.memory_space<hbm>>) target_semaphore(%dma_start3A_445 : memref<!tpu.dma_semaphore, #tpu.memory_space<semaphore_mem>>)
      %dma_wait3A_454 = arith.constant 1 : i32
      %dma_wait3A_455 = arith.constant 1 : i32
      %dma_wait3A_456 = arith.constant 0 : i32
      %dma_wait3A_457 = arith.constant 0 : i32
      %dma_wait3A_458 = arith.constant 0 : i32
      %dma_wait3A_459 = tpu.memref_slice %arg5[%dma_wait3A_454, %dma_wait3A_456, %dma_wait3A_457, %dma_wait3A_458] : memref<3x16x16x64xf32, #tpu.memory_space<vmem>> -> memref<1x16x16x64xf32, #tpu.memory_space<vmem>>
      %dma_wait3A_460 = tpu.memref_squeeze %dma_wait3A_459 : memref<1x16x16x64xf32, #tpu.memory_space<vmem>> -> memref<16x16x64xf32, #tpu.memory_space<vmem>>
      %dma_wait3A_461 = arith.constant 0 : i32
      %dma_wait3A_462 = arith.constant 0 : i32
      %dma_wait3A_463 = tpu.memref_slice %arg4[%add3A_433, %dma_wait3A_461, %dma_wait3A_462] : memref<4096x16x64xf32, #tpu.memory_space<hbm>> -> memref<16x16x64xf32, #tpu.memory_space<hbm>>
      %dma_wait3A_464 = tpu.memref_slice %arg7[%dma_wait3A_455] : memref<3x!tpu.dma_semaphore, #tpu.memory_space<semaphore_mem>> -> memref<1x!tpu.dma_semaphore, #tpu.memory_space<semaphore_mem>>
      %dma_wait3A_465 = tpu.memref_squeeze %dma_wait3A_464 : memref<1x!tpu.dma_semaphore, #tpu.memory_space<semaphore_mem>> -> memref<!tpu.dma_semaphore, #tpu.memory_space<semaphore_mem>>
      %dma_wait3A_466 = arith.constant 0 : i32
      %dma_wait3A_467 = arith.constant 0 : i32
      %dma_wait3A_468 = tpu.memref_slice %arg4[%add3A_433, %dma_wait3A_466, %dma_wait3A_467] : memref<4096x16x64xf32, #tpu.memory_space<hbm>> -> memref<16x16x64xf32, #tpu.memory_space<hbm>>
      %dma_wait3A_469 = arith.constant 0 : i32
      %dma_wait3A_470 = arith.constant 0 : i32
      %dma_wait3A_471 = arith.constant 0 : i32
      %dma_wait3A_472 = tpu.memref_slice %arg5[%dma_wait3A_454, %dma_wait3A_469, %dma_wait3A_470, %dma_wait3A_471] : memref<3x16x16x64xf32, #tpu.memory_space<vmem>> -> memref<1x16x16x64xf32, #tpu.memory_space<vmem>>
      %dma_wait3A_473 = tpu.memref_squeeze %dma_wait3A_472 : memref<1x16x16x64xf32, #tpu.memory_space<vmem>> -> memref<16x16x64xf32, #tpu.memory_space<vmem>>
      tpu.wait_dma2 semaphore(%dma_wait3A_465 : memref<!tpu.dma_semaphore, #tpu.memory_space<semaphore_mem>>) src(%dma_wait3A_473 : memref<16x16x64xf32, #tpu.memory_space<vmem>>) dst(%dma_wait3A_468 : memref<16x16x64xf32, #tpu.memory_space<hbm>>)
      %dma_start3A_474 = arith.constant 1 : i32
      %dma_start3A_475 = arith.constant 1 : i32
      %dma_start3A_476 = arith.constant 0 : i32
      %dma_start3A_477 = arith.constant 0 : i32
      %dma_start3A_478 = arith.constant 0 : i32
      %dma_start3A_479 = tpu.memref_slice %arg5[%dma_start3A_474, %dma_start3A_476, %dma_start3A_477, %dma_start3A_478] : memref<3x16x16x64xf32, #tpu.memory_space<vmem>> -> memref<1x16x16x64xf32, #tpu.memory_space<vmem>>
      %dma_start3A_480 = tpu.memref_squeeze %dma_start3A_479 : memref<1x16x16x64xf32, #tpu.memory_space<vmem>> -> memref<16x16x64xf32, #tpu.memory_space<vmem>>
      %dma_start3A_481 = arith.constant 0 : i32
      %dma_start3A_482 = arith.constant 0 : i32
      %dma_start3A_483 = tpu.memref_slice %arg3[%add3A_25, %dma_start3A_481, %dma_start3A_482] : memref<4096x16x64xf32, #tpu.memory_space<hbm>> -> memref<16x16x64xf32, #tpu.memory_space<hbm>>
      %dma_start3A_484 = tpu.memref_slice %arg6[%dma_start3A_475] : memref<3x!tpu.dma_semaphore, #tpu.memory_space<semaphore_mem>> -> memref<1x!tpu.dma_semaphore, #tpu.memory_space<semaphore_mem>>
      %dma_start3A_485 = tpu.memref_squeeze %dma_start3A_484 : memref<1x!tpu.dma_semaphore, #tpu.memory_space<semaphore_mem>> -> memref<!tpu.dma_semaphore, #tpu.memory_space<semaphore_mem>>
      %dma_start3A_486 = arith.constant 0 : i32
      %dma_start3A_487 = arith.constant 0 : i32
      %dma_start3A_488 = arith.constant 0 : i32
      %dma_start3A_489 = tpu.memref_slice %arg5[%dma_start3A_474, %dma_start3A_486, %dma_start3A_487, %dma_start3A_488] : memref<3x16x16x64xf32, #tpu.memory_space<vmem>> -> memref<1x16x16x64xf32, #tpu.memory_space<vmem>>
      %dma_start3A_490 = tpu.memref_squeeze %dma_start3A_489 : memref<1x16x16x64xf32, #tpu.memory_space<vmem>> -> memref<16x16x64xf32, #tpu.memory_space<vmem>>
      %dma_start3A_491 = arith.constant 0 : i32
      %dma_start3A_492 = arith.constant 0 : i32
      %dma_start3A_493 = tpu.memref_slice %arg3[%add3A_25, %dma_start3A_491, %dma_start3A_492] : memref<4096x16x64xf32, #tpu.memory_space<hbm>> -> memref<16x16x64xf32, #tpu.memory_space<hbm>>
      tpu.enqueue_dma source(%dma_start3A_493 : memref<16x16x64xf32, #tpu.memory_space<hbm>>) target(%dma_start3A_490 : memref<16x16x64xf32, #tpu.memory_space<vmem>>) target_semaphore(%dma_start3A_485 : memref<!tpu.dma_semaphore, #tpu.memory_space<semaphore_mem>>)
      %dma_wait3A_494 = arith.constant 2 : i32
      %dma_wait3A_495 = arith.constant 2 : i32
      %dma_wait3A_496 = arith.constant 0 : i32
      %dma_wait3A_497 = arith.constant 0 : i32
      %dma_wait3A_498 = arith.constant 0 : i32
      %dma_wait3A_499 = tpu.memref_slice %arg5[%dma_wait3A_494, %dma_wait3A_496, %dma_wait3A_497, %dma_wait3A_498] : memref<3x16x16x64xf32, #tpu.memory_space<vmem>> -> memref<1x16x16x64xf32, #tpu.memory_space<vmem>>
      %dma_wait3A_500 = tpu.memref_squeeze %dma_wait3A_499 : memref<1x16x16x64xf32, #tpu.memory_space<vmem>> -> memref<16x16x64xf32, #tpu.memory_space<vmem>>
      %dma_wait3A_501 = arith.constant 0 : i32
      %dma_wait3A_502 = arith.constant 0 : i32
      %dma_wait3A_503 = tpu.memref_slice %arg3[%add3A_21, %dma_wait3A_501, %dma_wait3A_502] : memref<4096x16x64xf32, #tpu.memory_space<hbm>> -> memref<16x16x64xf32, #tpu.memory_space<hbm>>
      %dma_wait3A_504 = tpu.memref_slice %arg6[%dma_wait3A_495] : memref<3x!tpu.dma_semaphore, #tpu.memory_space<semaphore_mem>> -> memref<1x!tpu.dma_semaphore, #tpu.memory_space<semaphore_mem>>
      %dma_wait3A_505 = tpu.memref_squeeze %dma_wait3A_504 : memref<1x!tpu.dma_semaphore, #tpu.memory_space<semaphore_mem>> -> memref<!tpu.dma_semaphore, #tpu.memory_space<semaphore_mem>>
      %dma_wait3A_506 = arith.constant 0 : i32
      %dma_wait3A_507 = arith.constant 0 : i32
      %dma_wait3A_508 = arith.constant 0 : i32
      %dma_wait3A_509 = tpu.memref_slice %arg5[%dma_wait3A_494, %dma_wait3A_506, %dma_wait3A_507, %dma_wait3A_508] : memref<3x16x16x64xf32, #tpu.memory_space<vmem>> -> memref<1x16x16x64xf32, #tpu.memory_space<vmem>>
      %dma_wait3A_510 = tpu.memref_squeeze %dma_wait3A_509 : memref<1x16x16x64xf32, #tpu.memory_space<vmem>> -> memref<16x16x64xf32, #tpu.memory_space<vmem>>
      %dma_wait3A_511 = arith.constant 0 : i32
      %dma_wait3A_512 = arith.constant 0 : i32
      %dma_wait3A_513 = tpu.memref_slice %arg3[%add3A_21, %dma_wait3A_511, %dma_wait3A_512] : memref<4096x16x64xf32, #tpu.memory_space<hbm>> -> memref<16x16x64xf32, #tpu.memory_space<hbm>>
      tpu.wait_dma2 semaphore(%dma_wait3A_505 : memref<!tpu.dma_semaphore, #tpu.memory_space<semaphore_mem>>) src(%dma_wait3A_513 : memref<16x16x64xf32, #tpu.memory_space<hbm>>) dst(%dma_wait3A_510 : memref<16x16x64xf32, #tpu.memory_space<vmem>>)
      %add3A_514 = arith.constant 80 : i32
      %add3A_515 = arith.addi %mul3A_2, %add3A_514 : i32
      %dma_start3A_516 = arith.constant 2 : i32
      %dma_start3A_517 = arith.constant 2 : i32
      %dma_start3A_518 = arith.constant 0 : i32
      %dma_start3A_519 = arith.constant 0 : i32
      %dma_start3A_520 = arith.constant 0 : i32
      %dma_start3A_521 = tpu.memref_slice %arg5[%dma_start3A_516, %dma_start3A_518, %dma_start3A_519, %dma_start3A_520] : memref<3x16x16x64xf32, #tpu.memory_space<vmem>> -> memref<1x16x16x64xf32, #tpu.memory_space<vmem>>
      %dma_start3A_522 = tpu.memref_squeeze %dma_start3A_521 : memref<1x16x16x64xf32, #tpu.memory_space<vmem>> -> memref<16x16x64xf32, #tpu.memory_space<vmem>>
      %dma_start3A_523 = arith.constant 0 : i32
      %dma_start3A_524 = arith.constant 0 : i32
      %dma_start3A_525 = tpu.memref_slice %arg4[%add3A_515, %dma_start3A_523, %dma_start3A_524] : memref<4096x16x64xf32, #tpu.memory_space<hbm>> -> memref<16x16x64xf32, #tpu.memory_space<hbm>>
      %dma_start3A_526 = tpu.memref_slice %arg7[%dma_start3A_517] : memref<3x!tpu.dma_semaphore, #tpu.memory_space<semaphore_mem>> -> memref<1x!tpu.dma_semaphore, #tpu.memory_space<semaphore_mem>>
      %dma_start3A_527 = tpu.memref_squeeze %dma_start3A_526 : memref<1x!tpu.dma_semaphore, #tpu.memory_space<semaphore_mem>> -> memref<!tpu.dma_semaphore, #tpu.memory_space<semaphore_mem>>
      %dma_start3A_528 = arith.constant 0 : i32
      %dma_start3A_529 = arith.constant 0 : i32
      %dma_start3A_530 = tpu.memref_slice %arg4[%add3A_515, %dma_start3A_528, %dma_start3A_529] : memref<4096x16x64xf32, #tpu.memory_space<hbm>> -> memref<16x16x64xf32, #tpu.memory_space<hbm>>
      %dma_start3A_531 = arith.constant 0 : i32
      %dma_start3A_532 = arith.constant 0 : i32
      %dma_start3A_533 = arith.constant 0 : i32
      %dma_start3A_534 = tpu.memref_slice %arg5[%dma_start3A_516, %dma_start3A_531, %dma_start3A_532, %dma_start3A_533] : memref<3x16x16x64xf32, #tpu.memory_space<vmem>> -> memref<1x16x16x64xf32, #tpu.memory_space<vmem>>
      %dma_start3A_535 = tpu.memref_squeeze %dma_start3A_534 : memref<1x16x16x64xf32, #tpu.memory_space<vmem>> -> memref<16x16x64xf32, #tpu.memory_space<vmem>>
      tpu.enqueue_dma source(%dma_start3A_535 : memref<16x16x64xf32, #tpu.memory_space<vmem>>) target(%dma_start3A_530 : memref<16x16x64xf32, #tpu.memory_space<hbm>>) target_semaphore(%dma_start3A_527 : memref<!tpu.dma_semaphore, #tpu.memory_space<semaphore_mem>>)
      %dma_wait3A_536 = arith.constant 0 : i32
      %dma_wait3A_537 = arith.constant 0 : i32
      %dma_wait3A_538 = arith.constant 0 : i32
      %dma_wait3A_539 = arith.constant 0 : i32
      %dma_wait3A_540 = arith.constant 0 : i32
      %dma_wait3A_541 = tpu.memref_slice %arg5[%dma_wait3A_536, %dma_wait3A_538, %dma_wait3A_539, %dma_wait3A_540] : memref<3x16x16x64xf32, #tpu.memory_space<vmem>> -> memref<1x16x16x64xf32, #tpu.memory_space<vmem>>
      %dma_wait3A_542 = tpu.memref_squeeze %dma_wait3A_541 : memref<1x16x16x64xf32, #tpu.memory_space<vmem>> -> memref<16x16x64xf32, #tpu.memory_space<vmem>>
      %dma_wait3A_543 = arith.constant 0 : i32
      %dma_wait3A_544 = arith.constant 0 : i32
      %dma_wait3A_545 = tpu.memref_slice %arg3[%add3A_23, %dma_wait3A_543, %dma_wait3A_544] : memref<4096x16x64xf32, #tpu.memory_space<hbm>> -> memref<16x16x64xf32, #tpu.memory_space<hbm>>
      %dma_wait3A_546 = tpu.memref_slice %arg6[%dma_wait3A_537] : memref<3x!tpu.dma_semaphore, #tpu.memory_space<semaphore_mem>> -> memref<1x!tpu.dma_semaphore, #tpu.memory_space<semaphore_mem>>
      %dma_wait3A_547 = tpu.memref_squeeze %dma_wait3A_546 : memref<1x!tpu.dma_semaphore, #tpu.memory_space<semaphore_mem>> -> memref<!tpu.dma_semaphore, #tpu.memory_space<semaphore_mem>>
      %dma_wait3A_548 = arith.constant 0 : i32
      %dma_wait3A_549 = arith.constant 0 : i32
      %dma_wait3A_550 = arith.constant 0 : i32
      %dma_wait3A_551 = tpu.memref_slice %arg5[%dma_wait3A_536, %dma_wait3A_548, %dma_wait3A_549, %dma_wait3A_550] : memref<3x16x16x64xf32, #tpu.memory_space<vmem>> -> memref<1x16x16x64xf32, #tpu.memory_space<vmem>>
      %dma_wait3A_552 = tpu.memref_squeeze %dma_wait3A_551 : memref<1x16x16x64xf32, #tpu.memory_space<vmem>> -> memref<16x16x64xf32, #tpu.memory_space<vmem>>
      %dma_wait3A_553 = arith.constant 0 : i32
      %dma_wait3A_554 = arith.constant 0 : i32
      %dma_wait3A_555 = tpu.memref_slice %arg3[%add3A_23, %dma_wait3A_553, %dma_wait3A_554] : memref<4096x16x64xf32, #tpu.memory_space<hbm>> -> memref<16x16x64xf32, #tpu.memory_space<hbm>>
      tpu.wait_dma2 semaphore(%dma_wait3A_547 : memref<!tpu.dma_semaphore, #tpu.memory_space<semaphore_mem>>) src(%dma_wait3A_555 : memref<16x16x64xf32, #tpu.memory_space<hbm>>) dst(%dma_wait3A_552 : memref<16x16x64xf32, #tpu.memory_space<vmem>>)
      %add3A_556 = arith.constant 96 : i32
      %add3A_557 = arith.addi %mul3A_2, %add3A_556 : i32
      %dma_start3A_558 = arith.constant 0 : i32
      %dma_start3A_559 = arith.constant 0 : i32
      %dma_start3A_560 = arith.constant 0 : i32
      %dma_start3A_561 = arith.constant 0 : i32
      %dma_start3A_562 = arith.constant 0 : i32
      %dma_start3A_563 = tpu.memref_slice %arg5[%dma_start3A_558, %dma_start3A_560, %dma_start3A_561, %dma_start3A_562] : memref<3x16x16x64xf32, #tpu.memory_space<vmem>> -> memref<1x16x16x64xf32, #tpu.memory_space<vmem>>
      %dma_start3A_564 = tpu.memref_squeeze %dma_start3A_563 : memref<1x16x16x64xf32, #tpu.memory_space<vmem>> -> memref<16x16x64xf32, #tpu.memory_space<vmem>>
      %dma_start3A_565 = arith.constant 0 : i32
      %dma_start3A_566 = arith.constant 0 : i32
      %dma_start3A_567 = tpu.memref_slice %arg4[%add3A_557, %dma_start3A_565, %dma_start3A_566] : memref<4096x16x64xf32, #tpu.memory_space<hbm>> -> memref<16x16x64xf32, #tpu.memory_space<hbm>>
      %dma_start3A_568 = tpu.memref_slice %arg7[%dma_start3A_559] : memref<3x!tpu.dma_semaphore, #tpu.memory_space<semaphore_mem>> -> memref<1x!tpu.dma_semaphore, #tpu.memory_space<semaphore_mem>>
      %dma_start3A_569 = tpu.memref_squeeze %dma_start3A_568 : memref<1x!tpu.dma_semaphore, #tpu.memory_space<semaphore_mem>> -> memref<!tpu.dma_semaphore, #tpu.memory_space<semaphore_mem>>
      %dma_start3A_570 = arith.constant 0 : i32
      %dma_start3A_571 = arith.constant 0 : i32
      %dma_start3A_572 = tpu.memref_slice %arg4[%add3A_557, %dma_start3A_570, %dma_start3A_571] : memref<4096x16x64xf32, #tpu.memory_space<hbm>> -> memref<16x16x64xf32, #tpu.memory_space<hbm>>
      %dma_start3A_573 = arith.constant 0 : i32
      %dma_start3A_574 = arith.constant 0 : i32
      %dma_start3A_575 = arith.constant 0 : i32
      %dma_start3A_576 = tpu.memref_slice %arg5[%dma_start3A_558, %dma_start3A_573, %dma_start3A_574, %dma_start3A_575] : memref<3x16x16x64xf32, #tpu.memory_space<vmem>> -> memref<1x16x16x64xf32, #tpu.memory_space<vmem>>
      %dma_start3A_577 = tpu.memref_squeeze %dma_start3A_576 : memref<1x16x16x64xf32, #tpu.memory_space<vmem>> -> memref<16x16x64xf32, #tpu.memory_space<vmem>>
      tpu.enqueue_dma source(%dma_start3A_577 : memref<16x16x64xf32, #tpu.memory_space<vmem>>) target(%dma_start3A_572 : memref<16x16x64xf32, #tpu.memory_space<hbm>>) target_semaphore(%dma_start3A_569 : memref<!tpu.dma_semaphore, #tpu.memory_space<semaphore_mem>>)
      %dma_wait3A_578 = arith.constant 1 : i32
      %dma_wait3A_579 = arith.constant 1 : i32
      %dma_wait3A_580 = arith.constant 0 : i32
      %dma_wait3A_581 = arith.constant 0 : i32
      %dma_wait3A_582 = arith.constant 0 : i32
      %dma_wait3A_583 = tpu.memref_slice %arg5[%dma_wait3A_578, %dma_wait3A_580, %dma_wait3A_581, %dma_wait3A_582] : memref<3x16x16x64xf32, #tpu.memory_space<vmem>> -> memref<1x16x16x64xf32, #tpu.memory_space<vmem>>
      %dma_wait3A_584 = tpu.memref_squeeze %dma_wait3A_583 : memref<1x16x16x64xf32, #tpu.memory_space<vmem>> -> memref<16x16x64xf32, #tpu.memory_space<vmem>>
      %dma_wait3A_585 = arith.constant 0 : i32
      %dma_wait3A_586 = arith.constant 0 : i32
      %dma_wait3A_587 = tpu.memref_slice %arg3[%add3A_25, %dma_wait3A_585, %dma_wait3A_586] : memref<4096x16x64xf32, #tpu.memory_space<hbm>> -> memref<16x16x64xf32, #tpu.memory_space<hbm>>
      %dma_wait3A_588 = tpu.memref_slice %arg6[%dma_wait3A_579] : memref<3x!tpu.dma_semaphore, #tpu.memory_space<semaphore_mem>> -> memref<1x!tpu.dma_semaphore, #tpu.memory_space<semaphore_mem>>
      %dma_wait3A_589 = tpu.memref_squeeze %dma_wait3A_588 : memref<1x!tpu.dma_semaphore, #tpu.memory_space<semaphore_mem>> -> memref<!tpu.dma_semaphore, #tpu.memory_space<semaphore_mem>>
      %dma_wait3A_590 = arith.constant 0 : i32
      %dma_wait3A_591 = arith.constant 0 : i32
      %dma_wait3A_592 = arith.constant 0 : i32
      %dma_wait3A_593 = tpu.memref_slice %arg5[%dma_wait3A_578, %dma_wait3A_590, %dma_wait3A_591, %dma_wait3A_592] : memref<3x16x16x64xf32, #tpu.memory_space<vmem>> -> memref<1x16x16x64xf32, #tpu.memory_space<vmem>>
      %dma_wait3A_594 = tpu.memref_squeeze %dma_wait3A_593 : memref<1x16x16x64xf32, #tpu.memory_space<vmem>> -> memref<16x16x64xf32, #tpu.memory_space<vmem>>
      %dma_wait3A_595 = arith.constant 0 : i32
      %dma_wait3A_596 = arith.constant 0 : i32
      %dma_wait3A_597 = tpu.memref_slice %arg3[%add3A_25, %dma_wait3A_595, %dma_wait3A_596] : memref<4096x16x64xf32, #tpu.memory_space<hbm>> -> memref<16x16x64xf32, #tpu.memory_space<hbm>>
      tpu.wait_dma2 semaphore(%dma_wait3A_589 : memref<!tpu.dma_semaphore, #tpu.memory_space<semaphore_mem>>) src(%dma_wait3A_597 : memref<16x16x64xf32, #tpu.memory_space<hbm>>) dst(%dma_wait3A_594 : memref<16x16x64xf32, #tpu.memory_space<vmem>>)
      %add3A_598 = arith.constant 112 : i32
      %add3A_599 = arith.addi %mul3A_2, %add3A_598 : i32
      %dma_start3A_600 = arith.constant 1 : i32
      %dma_start3A_601 = arith.constant 1 : i32
      %dma_start3A_602 = arith.constant 0 : i32
      %dma_start3A_603 = arith.constant 0 : i32
      %dma_start3A_604 = arith.constant 0 : i32
      %dma_start3A_605 = tpu.memref_slice %arg5[%dma_start3A_600, %dma_start3A_602, %dma_start3A_603, %dma_start3A_604] : memref<3x16x16x64xf32, #tpu.memory_space<vmem>> -> memref<1x16x16x64xf32, #tpu.memory_space<vmem>>
      %dma_start3A_606 = tpu.memref_squeeze %dma_start3A_605 : memref<1x16x16x64xf32, #tpu.memory_space<vmem>> -> memref<16x16x64xf32, #tpu.memory_space<vmem>>
      %dma_start3A_607 = arith.constant 0 : i32
      %dma_start3A_608 = arith.constant 0 : i32
      %dma_start3A_609 = tpu.memref_slice %arg4[%add3A_599, %dma_start3A_607, %dma_start3A_608] : memref<4096x16x64xf32, #tpu.memory_space<hbm>> -> memref<16x16x64xf32, #tpu.memory_space<hbm>>
      %dma_start3A_610 = tpu.memref_slice %arg7[%dma_start3A_601] : memref<3x!tpu.dma_semaphore, #tpu.memory_space<semaphore_mem>> -> memref<1x!tpu.dma_semaphore, #tpu.memory_space<semaphore_mem>>
      %dma_start3A_611 = tpu.memref_squeeze %dma_start3A_610 : memref<1x!tpu.dma_semaphore, #tpu.memory_space<semaphore_mem>> -> memref<!tpu.dma_semaphore, #tpu.memory_space<semaphore_mem>>
      %dma_start3A_612 = arith.constant 0 : i32
      %dma_start3A_613 = arith.constant 0 : i32
      %dma_start3A_614 = tpu.memref_slice %arg4[%add3A_599, %dma_start3A_612, %dma_start3A_613] : memref<4096x16x64xf32, #tpu.memory_space<hbm>> -> memref<16x16x64xf32, #tpu.memory_space<hbm>>
      %dma_start3A_615 = arith.constant 0 : i32
      %dma_start3A_616 = arith.constant 0 : i32
      %dma_start3A_617 = arith.constant 0 : i32
      %dma_start3A_618 = tpu.memref_slice %arg5[%dma_start3A_600, %dma_start3A_615, %dma_start3A_616, %dma_start3A_617] : memref<3x16x16x64xf32, #tpu.memory_space<vmem>> -> memref<1x16x16x64xf32, #tpu.memory_space<vmem>>
      %dma_start3A_619 = tpu.memref_squeeze %dma_start3A_618 : memref<1x16x16x64xf32, #tpu.memory_space<vmem>> -> memref<16x16x64xf32, #tpu.memory_space<vmem>>
      tpu.enqueue_dma source(%dma_start3A_619 : memref<16x16x64xf32, #tpu.memory_space<vmem>>) target(%dma_start3A_614 : memref<16x16x64xf32, #tpu.memory_space<hbm>>) target_semaphore(%dma_start3A_611 : memref<!tpu.dma_semaphore, #tpu.memory_space<semaphore_mem>>)
      %dma_wait3A_620 = arith.constant 2 : i32
      %dma_wait3A_621 = arith.constant 2 : i32
      %dma_wait3A_622 = arith.constant 0 : i32
      %dma_wait3A_623 = arith.constant 0 : i32
      %dma_wait3A_624 = arith.constant 0 : i32
      %dma_wait3A_625 = tpu.memref_slice %arg5[%dma_wait3A_620, %dma_wait3A_622, %dma_wait3A_623, %dma_wait3A_624] : memref<3x16x16x64xf32, #tpu.memory_space<vmem>> -> memref<1x16x16x64xf32, #tpu.memory_space<vmem>>
      %dma_wait3A_626 = tpu.memref_squeeze %dma_wait3A_625 : memref<1x16x16x64xf32, #tpu.memory_space<vmem>> -> memref<16x16x64xf32, #tpu.memory_space<vmem>>
      %dma_wait3A_627 = arith.constant 0 : i32
      %dma_wait3A_628 = arith.constant 0 : i32
      %dma_wait3A_629 = tpu.memref_slice %arg4[%add3A_515, %dma_wait3A_627, %dma_wait3A_628] : memref<4096x16x64xf32, #tpu.memory_space<hbm>> -> memref<16x16x64xf32, #tpu.memory_space<hbm>>
      %dma_wait3A_630 = tpu.memref_slice %arg7[%dma_wait3A_621] : memref<3x!tpu.dma_semaphore, #tpu.memory_space<semaphore_mem>> -> memref<1x!tpu.dma_semaphore, #tpu.memory_space<semaphore_mem>>
      %dma_wait3A_631 = tpu.memref_squeeze %dma_wait3A_630 : memref<1x!tpu.dma_semaphore, #tpu.memory_space<semaphore_mem>> -> memref<!tpu.dma_semaphore, #tpu.memory_space<semaphore_mem>>
      %dma_wait3A_632 = arith.constant 0 : i32
      %dma_wait3A_633 = arith.constant 0 : i32
      %dma_wait3A_634 = tpu.memref_slice %arg4[%add3A_515, %dma_wait3A_632, %dma_wait3A_633] : memref<4096x16x64xf32, #tpu.memory_space<hbm>> -> memref<16x16x64xf32, #tpu.memory_space<hbm>>
      %dma_wait3A_635 = arith.constant 0 : i32
      %dma_wait3A_636 = arith.constant 0 : i32
      %dma_wait3A_637 = arith.constant 0 : i32
      %dma_wait3A_638 = tpu.memref_slice %arg5[%dma_wait3A_620, %dma_wait3A_635, %dma_wait3A_636, %dma_wait3A_637] : memref<3x16x16x64xf32, #tpu.memory_space<vmem>> -> memref<1x16x16x64xf32, #tpu.memory_space<vmem>>
      %dma_wait3A_639 = tpu.memref_squeeze %dma_wait3A_638 : memref<1x16x16x64xf32, #tpu.memory_space<vmem>> -> memref<16x16x64xf32, #tpu.memory_space<vmem>>
      tpu.wait_dma2 semaphore(%dma_wait3A_631 : memref<!tpu.dma_semaphore, #tpu.memory_space<semaphore_mem>>) src(%dma_wait3A_639 : memref<16x16x64xf32, #tpu.memory_space<vmem>>) dst(%dma_wait3A_634 : memref<16x16x64xf32, #tpu.memory_space<hbm>>)
      %dma_wait3A_640 = arith.constant 0 : i32
      %dma_wait3A_641 = arith.constant 0 : i32
      %dma_wait3A_642 = arith.constant 0 : i32
      %dma_wait3A_643 = arith.constant 0 : i32
      %dma_wait3A_644 = arith.constant 0 : i32
      %dma_wait3A_645 = tpu.memref_slice %arg5[%dma_wait3A_640, %dma_wait3A_642, %dma_wait3A_643, %dma_wait3A_644] : memref<3x16x16x64xf32, #tpu.memory_space<vmem>> -> memref<1x16x16x64xf32, #tpu.memory_space<vmem>>
      %dma_wait3A_646 = tpu.memref_squeeze %dma_wait3A_645 : memref<1x16x16x64xf32, #tpu.memory_space<vmem>> -> memref<16x16x64xf32, #tpu.memory_space<vmem>>
      %dma_wait3A_647 = arith.constant 0 : i32
      %dma_wait3A_648 = arith.constant 0 : i32
      %dma_wait3A_649 = tpu.memref_slice %arg4[%add3A_557, %dma_wait3A_647, %dma_wait3A_648] : memref<4096x16x64xf32, #tpu.memory_space<hbm>> -> memref<16x16x64xf32, #tpu.memory_space<hbm>>
      %dma_wait3A_650 = tpu.memref_slice %arg7[%dma_wait3A_641] : memref<3x!tpu.dma_semaphore, #tpu.memory_space<semaphore_mem>> -> memref<1x!tpu.dma_semaphore, #tpu.memory_space<semaphore_mem>>
      %dma_wait3A_651 = tpu.memref_squeeze %dma_wait3A_650 : memref<1x!tpu.dma_semaphore, #tpu.memory_space<semaphore_mem>> -> memref<!tpu.dma_semaphore, #tpu.memory_space<semaphore_mem>>
      %dma_wait3A_652 = arith.constant 0 : i32
      %dma_wait3A_653 = arith.constant 0 : i32
      %dma_wait3A_654 = tpu.memref_slice %arg4[%add3A_557, %dma_wait3A_652, %dma_wait3A_653] : memref<4096x16x64xf32, #tpu.memory_space<hbm>> -> memref<16x16x64xf32, #tpu.memory_space<hbm>>
      %dma_wait3A_655 = arith.constant 0 : i32
      %dma_wait3A_656 = arith.constant 0 : i32
      %dma_wait3A_657 = arith.constant 0 : i32
      %dma_wait3A_658 = tpu.memref_slice %arg5[%dma_wait3A_640, %dma_wait3A_655, %dma_wait3A_656, %dma_wait3A_657] : memref<3x16x16x64xf32, #tpu.memory_space<vmem>> -> memref<1x16x16x64xf32, #tpu.memory_space<vmem>>
      %dma_wait3A_659 = tpu.memref_squeeze %dma_wait3A_658 : memref<1x16x16x64xf32, #tpu.memory_space<vmem>> -> memref<16x16x64xf32, #tpu.memory_space<vmem>>
      tpu.wait_dma2 semaphore(%dma_wait3A_651 : memref<!tpu.dma_semaphore, #tpu.memory_space<semaphore_mem>>) src(%dma_wait3A_659 : memref<16x16x64xf32, #tpu.memory_space<vmem>>) dst(%dma_wait3A_654 : memref<16x16x64xf32, #tpu.memory_space<hbm>>)
      %dma_wait3A_660 = arith.constant 1 : i32
      %dma_wait3A_661 = arith.constant 1 : i32
      %dma_wait3A_662 = arith.constant 0 : i32
      %dma_wait3A_663 = arith.constant 0 : i32
      %dma_wait3A_664 = arith.constant 0 : i32
      %dma_wait3A_665 = tpu.memref_slice %arg5[%dma_wait3A_660, %dma_wait3A_662, %dma_wait3A_663, %dma_wait3A_664] : memref<3x16x16x64xf32, #tpu.memory_space<vmem>> -> memref<1x16x16x64xf32, #tpu.memory_space<vmem>>
      %dma_wait3A_666 = tpu.memref_squeeze %dma_wait3A_665 : memref<1x16x16x64xf32, #tpu.memory_space<vmem>> -> memref<16x16x64xf32, #tpu.memory_space<vmem>>
      %dma_wait3A_667 = arith.constant 0 : i32
      %dma_wait3A_668 = arith.constant 0 : i32
      %dma_wait3A_669 = tpu.memref_slice %arg4[%add3A_599, %dma_wait3A_667, %dma_wait3A_668] : memref<4096x16x64xf32, #tpu.memory_space<hbm>> -> memref<16x16x64xf32, #tpu.memory_space<hbm>>
      %dma_wait3A_670 = tpu.memref_slice %arg7[%dma_wait3A_661] : memref<3x!tpu.dma_semaphore, #tpu.memory_space<semaphore_mem>> -> memref<1x!tpu.dma_semaphore, #tpu.memory_space<semaphore_mem>>
      %dma_wait3A_671 = tpu.memref_squeeze %dma_wait3A_670 : memref<1x!tpu.dma_semaphore, #tpu.memory_space<semaphore_mem>> -> memref<!tpu.dma_semaphore, #tpu.memory_space<semaphore_mem>>
      %dma_wait3A_672 = arith.constant 0 : i32
      %dma_wait3A_673 = arith.constant 0 : i32
      %dma_wait3A_674 = tpu.memref_slice %arg4[%add3A_599, %dma_wait3A_672, %dma_wait3A_673] : memref<4096x16x64xf32, #tpu.memory_space<hbm>> -> memref<16x16x64xf32, #tpu.memory_space<hbm>>
      %dma_wait3A_675 = arith.constant 0 : i32
      %dma_wait3A_676 = arith.constant 0 : i32
      %dma_wait3A_677 = arith.constant 0 : i32
      %dma_wait3A_678 = tpu.memref_slice %arg5[%dma_wait3A_660, %dma_wait3A_675, %dma_wait3A_676, %dma_wait3A_677] : memref<3x16x16x64xf32, #tpu.memory_space<vmem>> -> memref<1x16x16x64xf32, #tpu.memory_space<vmem>>
      %dma_wait3A_679 = tpu.memref_squeeze %dma_wait3A_678 : memref<1x16x16x64xf32, #tpu.memory_space<vmem>> -> memref<16x16x64xf32, #tpu.memory_space<vmem>>
      tpu.wait_dma2 semaphore(%dma_wait3A_671 : memref<!tpu.dma_semaphore, #tpu.memory_space<semaphore_mem>>) src(%dma_wait3A_679 : memref<16x16x64xf32, #tpu.memory_space<vmem>>) dst(%dma_wait3A_674 : memref<16x16x64xf32, #tpu.memory_space<hbm>>)
    } else {
    }
    return
  }
}

</mosaic_0001>

<sc_bundles>
// kernel: kernel.3.cloned.1.call-start
scs
__scs_entry_jumppad:
0x0: {  	(pc) =	sbr.rel $0x88, $3  }
0x1: {  	(tag) =	ssettag $0x0;
	lr =	simm.s32 $0x1  }
0x2: {  	[smem:$0x3F9F] =	sst lr;
	_ =	strace $0xD0000000  }
0x3: {  	_ = 	snop  }
0x4: {  	_ = 	snop  }
0x5: {  	_ = 	snop  }
0x6: {  	_ = 	snop  }
0x7: {  	_ = 	snop  }
__scs_overlays_trampoline_lowered:
0x8: {  	[smem:$0x3FAE] =	sst s0  }
0x9: {  	[smem:$0x3FAF] =	sst s1  }
0xa: {  	[smem:$0x3FB0] =	sst s2  }
0xb: {  	[smem:$0x3FB1] =	sst s3  }
0xc: {  	[smem:$0x3FB2] =	sst s4  }
0xd: {  	[smem:$0x3FB3] =	sst s5  }
0xe: {  	[smem:$0x3FB4] =	sst s6  }
0xf: {  	[smem:$0x3FB5] =	sst s7  }
0x10: {  	[smem:$0x3FB6] =	sst s8  }
0x11: {  	[smem:$0x3FB7] =	sst s9;
	s0 =	simm.s32 @!p0 $0x0  }
0x12: {  	s1 =	sld [smem:$0x3F9D];
	s0 =	simm.s32 @p0 $0x1  }
0x13: {  	[smem:$0x3FB8] =	sst s0;
	s0 =	simm.s32 @!p1 $0x0  }
0x14: {  	s2 =	sld [smem:$0x3F9C];
	s0 =	simm.s32 @p1 $0x1  }
0x15: {  	[smem:$0x3FB9] =	sst s0;
	s0 =	simm.s32 @!p2 $0x0  }
0x16: {  	s3 =	sld [smem:$0x3FDB];
	s0 =	simm.s32 @p2 $0x1  }
0x17: {  	s4 =	simm.s32 $0x1BF5;
	[smem:$0x3FBB] =	sst s0  }
0x18: {  	s0 =	sld [smem:$0x3F9E];
	_ =	swait.ge [sflag:s4], $0x0  }
0x19: {  	s7 =	sld [smem:$0x3F9F]  }
0x1a: {  	s8 =	sadd.s32 $0xFFFFE003, lr  }
0x1b: {  	s9 =	sadd.s32 $0xFFFFFEF7, lr;
	s5 =	simm.s32 $0xFFFFFFFF;
	p2 =	slt.u32 s8, $0xFFFFF086  }
0x1c: {  	p1 =	slt.u32 s9, $0xF7A;
	s5 =	simm.s32 @!p2 $0x0  }
0x1d: {  	s5 =	simm.s32 @p1 $0x1;
	p0 =	seq.s32 s7, s2  }
0x1e: {  	s7 =	smul.u32 @!p0 $0xF7A, s2;
	p2 =	seq.s32 @!p0 s5, $0x0  }
0x1f: {  	s9 =	smul.u32 $0xF7A, s1;
	s8 =	simm.s32 @!p0 $0x1BF5;
	p2 =	por !p2, p0  }
0x20: {  	[sflag:s8] =	ssyncset.s32 @!p0 $0xFFFFF086;
	s6 =	sadd.s32 @!p0 s3, s7;
	s7 =	simm.s32 @!p0 $0x108  }
0x21: {  	s3 =	sadd.s32 s3, s9;
	s6 =	sadd.s32 @!p0 $0x88, s6;
	s7 =	simm.s32 @p2 $0x1082  }
0x22: {  	[simem:s7], [sflag:s8] =	dma.local @!p0 [hbm:s6], $0xF7A  }
0x23: {  	s9 =	sor.u32 $0xD0000000, s2;
	s6 =	simm.s32 $0x108;
	_ =	swait.ge @!p0 [sflag:s8], $0x0  }
0x24: {  	s3 =	sadd.s32 $0x88, s3;
	s6 =	simm.s32 @!p1 $0x1082;
	[sflag:s4] =	ssyncset.s32 $0xFFFFF086  }
0x25: {  	[simem:s6], [sflag:s4] =	dma.local [hbm:s3], $0xF7A  }
0x26: {  	[smem:$0x3F9F] =	sst s1;
	(tag) =	ssettag s2;
	_ =	strace s9  }
0x27: {  	s1 =	sld [smem:$0x3FAF]  }
0x28: {  	s2 =	sld [smem:$0x3FB0]  }
0x29: {  	s4 =	sld [smem:$0x3FB2]  }
0x2a: {  	p0 =	seq.s32 s5, $0x0;
	s5 =	sld [smem:$0x3FB3]  }
0x2b: {  	s6 =	sld [smem:$0x3FB4]  }
0x2c: {  	s7 =	sld [smem:$0x3FB5]  }
0x2d: {  	s3 =	simm.s32 $0x108;
	s8 =	sld [smem:$0x3FB6]  }
0x2e: {  	s3 =	simm.s32 @!p0 $0x1082;
	s9 =	sld [smem:$0x3FB7]  }
0x2f: {  	lr =	sadd.s32 s0, s3;
	s0 =	sld [smem:$0x3FAE]  }
0x30: {  	s3 =	sld [smem:$0x3FB1]  }
0x31: {  	[smem:$0x3FBA] =	sst s10  }
0x32: {  	s10 =	sld [smem:$0x3FB8];
	_ =	sdelay $0x3  }
0x33: {  	p0 =	seq.s32 s10, $0x1;
	s10 =	sld [smem:$0x3FBA];
	_ =	sdelay $0x3  }
0x34: {  	[smem:$0x3FBA] =	sst s10  }
0x35: {  	s10 =	sld [smem:$0x3FB9];
	_ =	sdelay $0x3  }
0x36: {  	p1 =	seq.s32 s10, $0x1;
	s10 =	sld [smem:$0x3FBA];
	_ =	sdelay $0x3  }
0x37: {  	[smem:$0x3FBA] =	sst s10  }
0x38: {  	s10 =	sld [smem:$0x3FBB]  }
0x39: {  	_ = 	snop;
	(pc) =	sbr.ind lr, $3  }
0x3a: {  	_ = 	snop  }
0x3b: {  	_ = 	snop  }
0x3c: {  	p2 =	seq.s32 s10, $0x1;
	s10 =	sld [smem:$0x3FBA]  }
0x3d: {  	_ =	shalt  }
0x3e: {  	_ =	shalt  }
0x3f: {  	_ =	shalt  }
0x40: {  	_ =	shalt  }
0x41: {  	_ =	shalt  }
0x42: {  	_ =	shalt  }
0x43: {  	_ =	shalt  }
0x44: {  	_ =	shalt  }
0x45: {  	_ =	shalt  }
0x46: {  	_ =	shalt  }
0x47: {  	_ =	shalt  }
0x48: {  	_ =	shalt  }
0x49: {  	_ =	shalt  }
0x4a: {  	_ =	shalt  }
0x4b: {  	_ =	shalt  }
0x4c: {  	_ =	shalt  }
0x4d: {  	_ =	shalt  }
0x4e: {  	_ =	shalt  }
0x4f: {  	_ =	shalt  }
0x50: {  	_ =	shalt  }
0x51: {  	_ =	shalt  }
0x52: {  	_ =	shalt  }
0x53: {  	_ =	shalt  }
0x54: {  	_ =	shalt  }
0x55: {  	_ =	shalt  }
0x56: {  	_ =	shalt  }
0x57: {  	_ =	shalt  }
0x58: {  	_ =	shalt  }
0x59: {  	_ =	shalt  }
0x5a: {  	_ =	shalt  }
0x5b: {  	_ =	shalt  }
0x5c: {  	_ =	shalt  }
0x5d: {  	_ =	shalt  }
0x5e: {  	_ =	shalt  }
0x5f: {  	_ =	shalt  }
0x60: {  	_ =	shalt  }
0x61: {  	_ =	shalt  }
0x62: {  	_ =	shalt  }
0x63: {  	_ =	shalt  }
0x64: {  	_ =	shalt  }
0x65: {  	_ =	shalt  }
0x66: {  	_ =	shalt  }
0x67: {  	_ =	shalt  }
0x68: {  	_ =	shalt  }
0x69: {  	_ =	shalt  }
0x6a: {  	_ =	shalt  }
0x6b: {  	_ =	shalt  }
0x6c: {  	_ =	shalt  }
0x6d: {  	_ =	shalt  }
0x6e: {  	_ =	shalt  }
0x6f: {  	_ =	shalt  }
0x70: {  	_ =	shalt  }
0x71: {  	_ =	shalt  }
0x72: {  	_ =	shalt  }
0x73: {  	_ =	shalt  }
0x74: {  	_ =	shalt  }
0x75: {  	_ =	shalt  }
0x76: {  	_ =	shalt  }
0x77: {  	_ =	shalt  }
0x78: {  	_ =	shalt  }
0x79: {  	_ =	shalt  }
0x7a: {  	_ =	shalt  }
0x7b: {  	_ =	shalt  }
0x7c: {  	_ =	shalt  }
0x7d: {  	_ =	shalt  }
0x7e: {  	_ =	shalt  }
0x7f: {  	_ =	shalt  }
0x80: {  	_ =	shalt  }
0x81: {  	_ =	shalt  }
0x82: {  	_ =	shalt  }
0x83: {  	_ =	shalt  }
0x84: {  	_ =	shalt  }
0x85: {  	_ =	shalt  }
0x86: {  	_ =	shalt  }
0x87: {  	_ =	shalt  }
.Lfunc_end0:
.L_simem_size_0:
called_computation_lowered:
.L_overlay_start_0:
0x88: {  	s2 =	sld [smem:$0x3FD9]  }
0x89: {  	s3 =	sld [smem:$0x3FFE];
	_ =	sdelay $0x1  }
0x8a: {  	s1 =	srdreg.scid  }
0x8b: {  	s0 =	sand.u32 $0x1, s1  }
0x8c: {  	s17 =	sshll.u32 s0, $0xA;
	s2 =	sadd.s32 s3, s2  }
0x8d: {  	s2 =	sadd.s32 s2, s17  }
0x8e: {  	[smem:$0x3FC6] =	sst s2  }
0x8f: {  	_ = 	snop  }
0x90: {  	s2 =	sld [smem:$0x3FD0];
	(tm) =	ssettm $0x1  }
0x91: {  	s18 =	sld [smem:$0x3FFB];
	_ =	sdelay $0x3  }
0x92: {  	_ =	strace s18  }
0x93: {  	s3 =	sld [smem:$0x3FFC];
	_ =	sdelay $0x3  }
0x94: {  	_ =	strace s3  }
0x95: {  	s3 =	sld [smem:$0x3FFD];
	_ =	sdelay $0x3  }
0x96: {  	_ =	strace s3  }
0x97: {  	_ =	strace $0x8FFFFFFF  }
0x98: {  	s19 =	sld [smem:$0x3FDB];
	_ =	sdelay $0x1  }
0x99: {  	s4 =	simm.s32 $_scs_section_size  }
0x9a: {  	s5 =	simm.s32 $_size__tile_overlayer_lowered;
	s6 =	simm.s32 $_tile_overlayer_lowered  }
0x9b: {  	s22 =	simm.s32 $0x1BFF;
	s21 =	sshll.u32 s6, $0x1;
	s3 =	sadd.s32 s4, s19  }
0x9c: {  	s7 =	simm.s32 $0x0;
	s20 =	sshll.u32 s5, $0x1;
	s5 =	sadd.s32 s21, s3  }
0x9d: {  	[timem:s7], [sflag:s22] =	dma.local [hbm:s5], s20  }
0x9e: {  	_ =	swait.ge [sflag:s22], s20  }
0x9f: {  	s4 =	ssub.s32 $0x0, s20;
	[sflag:s22] =	ssyncset.done $0x0  }
0xa0: {  	[sflag:s22] =	ssyncadd.s32 s4;
	_ =	sdelay $0x1  }
0xa1: {  	s23 =	simm.s32 $0x1B8B  }
0xa2: {  	_ =	swait.ge [sflag:s23], $0x1  }
0xa3: {  	[sflag:s23] =	ssyncset.done $0x0  }
0xa4: {  	s25 =	simm.s32 $0x1B8E;
	s24 =	sld [smem:$0x3FFE];
	[sflag:s23] =	ssyncadd.s32 $0xFFFFFFFF  }
0xa5: {  	s26 =	simm.s32 $execute0_lowered;
	[smem:$0x3FD2] =	sst s25  }
0xa6: {  	s5 =	sshll.u32 s26, $0x1;
	_ =	strace $0x80000046;
	[dreg:$0x1] =	wrdreg $0xFFFFFFFF  }
0xa7: {  	s28 =	simm.s32 $_size_execute0_lowered;
	s3 =	sadd.s32 s3, s5;
	[dreg:$0x0] =	wrdreg $0x0  }
0xa8: {  	s5 =	sshll.u32 s28, $0x1;
	[dreg:$0x2] =	wrdreg s3  }
0xa9: {  	[dreg:$0x3] =	wrdreg s5  }
0xaa: {  	[dreg:$0x4] =	wrdreg $0xC0  }
0xab: {  	_ =	task [dreg:s7], $0x5FFFF  }
0xac: {  	[dreg:$0x1] =	wrdreg $0xFFFFFFFF  }
0xad: {  	[dreg:$0x0] =	wrdreg $0x60  }
0xae: {  	[dreg:$0x2] =	wrdreg s2  }
0xaf: {  	[dreg:$0x3] =	wrdreg s24  }
0xb0: {  	[dreg:$0x4] =	wrdreg $0x9  }
0xb1: {  	_ =	task.clear_ibuf [dreg:s7], $0x5FFFF;
	_ =	strace $0x90000046  }
0xb2: {  	s29 =	simm.s32 $0x9;
	_ =	strace $0x80000048  }
0xb3: {  	_ =	swait.ge [sflag:s29], $0x1  }
0xb4: {  	[sflag:s29] =	ssyncadd.s32 $0xFFFFFFFF  }
0xb5: {  	_ =	strace $0x90000048  }
0xb6: {  	_ =	sfence  }
0xb7: {  	s30 =	sld [smem:$0x0];
	_ =	sdelay $0x2  }
0xb8: {  	s31 =	sshll.u32 s1, $0xD;
	s1 =	sshrl.u32 s1, $0x2  }
0xb9: {  	s3 =	sand.u32 $0x4000, s31;
	s1 =	sadd.s32 s1, s30  }
0xba: {  	s0 =	sor.u32 s3, s0;
	s1 =	sshll.u32 s1, $0x11  }
0xbb: {  	s0 =	sor.u32 s1, s0  }
0xbc: {  	s0 =	sadd.s32 $0x8F2B, s0  }
0xbd: {  	[sflag:s0] =	ssyncadd.remote.s32 $0x1  }
0xbe: {  	_ =	sfence.sel $0xFFFF  }
0xbf: {  	[dreg:$0x0] =	wrdreg $0xFFFFFFFF;
	(pc) =	sbr.abs _section_cstart, $3  }
0xc0: {  	[dreg:$0x1] =	wrdreg $0xFFFFFFFF  }
0xc1: {  	_ =	task.clear_ibuf [dreg:s7], $0x2FFFF;
	_ =	strace $0x9FFFFFFF  }
0xc2: {  	(tm) =	ssettm $0x7FFFFFFF  }
0xc3: {  	_ =	shalt  }
tec
execute0_lowered:
.L_overlay_start_1:
0x0: {  	(tag) =	ssettag $0x1  }
0x1: {  	s24 =	rddreg [dreg:$0x0]  }
0x2: {  	s3 =	rddreg [dreg:$0x1];
	s4 =	srdreg.scid  }
0x3: {  	s0 =	stileid.u32;
	s2 =	simm.s32 $0x0;
	s28 =	sand.u32 $0x1, s4  }
0x4: {  	s30 =	sshll.u32 s0, $0x1;
	[smem:$0x7FF] =	sst s2;
	s23 =	sadd.s32 $0x400, s3  }
0x5: {  	s26 =	sadd.s32 $0x100400, s3;
	p0 =	seq.s32 s0, $0x0;
	s6 =	sor.u32 s28, s30  }
0x6: {  	_ =	strace $0x80000047;
	s30 =	sshll.u32 s28, $0xF;
	s25 =	sshll.u32 s6, $0x12  }
0x7: {  	s9 =	sshll.u32 s6, $0xF;
	s6 =	sadd.s32 s24, s30;
	s14 =	sor.u32 $0x1000, s30  }
0x8: {  	s17 =	sor.u32 $0x2000, s30;
	s31 =	sadd.s32 $0xFFF80000, s25;
	s0 =	sadd.s32 $0xFFF88000, s25  }
0x9: {  	s5 =	sadd.s32 $0xFFF90000, s25;
	s7 =	sadd.s32 s24, s14;
	s3 =	sshrl.u32 s31, $0x3  }
0xa: {  	s8 =	sadd.s32 s24, s17;
	s4 =	sshrl.u32 s0, $0x3;
	s3 =	sadd.s32 s23, s3  }
0xb: {  	s5 =	sshrl.u32 s5, $0x3;
	s4 =	sadd.s32 s23, s4;
	s3 =	smov.u32 @p0 s6  }
0xc: {  	[tilespmem:s2], [sflag:$0x1] =	stream.linear.gather [hbm4b:s3+s2], $0x8000, $0x38;
	[tilespmem:$0x18000] =	vst v63  }
0xd: {  	s5 =	sadd.s32 s23, s5;
	s4 =	smov.u32 @p0 s7;
	s6 =	simm.s32 $0x8000  }
0xe: {  	[tilespmem:s6], [sflag:$0x2] =	stream.linear.gather [hbm4b:s4+s2], $0x8000, $0x38;
	[tilespmem:$0x18000] =	vst v63  }
0xf: {  	s5 =	smov.u32 @p0 s8;
	s7 =	simm.s32 $0x10000;
	s8 =	simm.s32 $0x1  }
0x10: {  	[tilespmem:s7], [sflag:$0x3] =	stream.linear.gather [hbm4b:s5+s2], $0x8000, $0x38;
	[tilespmem:$0x18000] =	vst v63  }
0x11: {  	s10 =	simm.s32 $0x4;
	_ =	swait.ge [sflag:s8], $0x8000  }
0x12: {  	s29 =	sadd.s32 s9, s26;
	s9 =	smov.u32 @p0 s30;
	[sflag:s8] =	ssyncset.done $0x0  }
0x13: {  	s11 =	sadd.s32 $0xFFF98000, s25;
	s9 =	sadd.s32 s26, s9;
	[sflag:s8] =	ssyncadd.s32 $0xFFFF8000  }
0x14: {  	[hbm4b:s9+s2] =	stream.linear.scatter [tilespmem:s2], [sflag:$0x4], $0x8000, $0x38;
	[tilespmem:$0x18000] =	vst v63  }
0x15: {  	s20 =	sor.u32 $0x3000, s30;
	s11 =	sshrl.u32 s11, $0x3;
	_ =	swait.ge [sflag:s10], $0x8000  }
0x16: {  	s12 =	sadd.s32 s24, s20;
	s11 =	sadd.s32 s23, s11;
	[sflag:s10] =	ssyncset.done $0x0  }
0x17: {  	s11 =	smov.u32 @p0 s12;
	s12 =	simm.s32 $0x2;
	[sflag:s10] =	ssyncadd.s32 $0xFFFF8000  }
0x18: {  	[tilespmem:s2], [sflag:$0x1] =	stream.linear.gather [hbm4b:s11+s2], $0x8000, $0x38;
	[tilespmem:$0x18000] =	vst v63  }
0x19: {  	s15 =	sadd.s32 $0xFFFA0000, s25;
	_ =	swait.ge [sflag:s12], $0x8000  }
0x1a: {  	s14 =	sadd.s32 s26, s14;
	s13 =	sadd.s32 $0x1000, s29;
	[sflag:s12] =	ssyncset.done $0x0  }
0x1b: {  	s13 =	smov.u32 @p0 s14;
	s14 =	simm.s32 $0x5;
	[sflag:s12] =	ssyncadd.s32 $0xFFFF8000  }
0x1c: {  	[hbm4b:s13+s2] =	stream.linear.scatter [tilespmem:s6], [sflag:$0x5], $0x8000, $0x38;
	[tilespmem:$0x18000] =	vst v63  }
0x1d: {  	s22 =	sor.u32 $0x4000, s30;
	s15 =	sshrl.u32 s15, $0x3;
	_ =	swait.ge [sflag:s14], $0x8000  }
0x1e: {  	s16 =	sadd.s32 s24, s22;
	s15 =	sadd.s32 s23, s15;
	[sflag:s14] =	ssyncset.done $0x0  }
0x1f: {  	s15 =	smov.u32 @p0 s16;
	s16 =	simm.s32 $0x3;
	[sflag:s14] =	ssyncadd.s32 $0xFFFF8000  }
0x20: {  	[tilespmem:s6], [sflag:$0x2] =	stream.linear.gather [hbm4b:s15+s2], $0x8000, $0x38;
	[tilespmem:$0x18000] =	vst v63  }
0x21: {  	s18 =	sadd.s32 s26, s17;
	_ =	swait.ge [sflag:s16], $0x8000  }
0x22: {  	s19 =	sadd.s32 $0xFFFA8000, s25;
	s17 =	sadd.s32 $0x2000, s29;
	[sflag:s16] =	ssyncset.done $0x0  }
0x23: {  	s17 =	smov.u32 @p0 s18;
	s18 =	simm.s32 $0x6;
	[sflag:s16] =	ssyncadd.s32 $0xFFFF8000  }
0x24: {  	[hbm4b:s17+s2] =	stream.linear.scatter [tilespmem:s7], [sflag:$0x6], $0x8000, $0x38;
	[tilespmem:$0x18000] =	vst v63  }
0x25: {  	s19 =	sshrl.u32 s19, $0x3;
	s31 =	sor.u32 $0x5000, s30;
	_ =	swait.ge [sflag:s18], $0x8000  }
0x26: {  	s19 =	sadd.s32 s23, s19;
	s21 =	sadd.s32 s24, s31;
	[sflag:s18] =	ssyncset.done $0x0  }
0x27: {  	s19 =	smov.u32 @p0 s21;
	[sflag:s18] =	ssyncadd.s32 $0xFFFF8000  }
0x28: {  	[tilespmem:s7], [sflag:$0x3] =	stream.linear.gather [hbm4b:s19+s2], $0x8000, $0x38;
	[tilespmem:$0x18000] =	vst v63  }
0x29: {  	_ =	swait.ge [sflag:s8], $0x8000  }
0x2a: {  	s21 =	sadd.s32 s26, s20;
	s20 =	sadd.s32 $0x3000, s29;
	[sflag:s8] =	ssyncset.done $0x0  }
0x2b: {  	s1 =	sadd.s32 $0xFFFB0000, s25;
	s20 =	smov.u32 @p0 s21;
	[sflag:s8] =	ssyncadd.s32 $0xFFFF8000  }
0x2c: {  	[hbm4b:s20+s2] =	stream.linear.scatter [tilespmem:s2], [sflag:$0x4], $0x8000, $0x38;
	[tilespmem:$0x18000] =	vst v63  }
0x2d: {  	s0 =	sor.u32 $0x6000, s30;
	s21 =	sshrl.u32 s1, $0x3;
	_ =	swait.ge [sflag:s10], $0x8000  }
0x2e: {  	s1 =	sadd.s32 s24, s0;
	s21 =	sadd.s32 s23, s21;
	[sflag:s10] =	ssyncset.done $0x0  }
0x2f: {  	s21 =	smov.u32 @p0 s1;
	[sflag:s10] =	ssyncadd.s32 $0xFFFF8000  }
0x30: {  	[tilespmem:s2], [sflag:$0x1] =	stream.linear.gather [hbm4b:s21+s2], $0x8000, $0x38;
	[tilespmem:$0x18000] =	vst v63  }
0x31: {  	_ =	swait.ge [sflag:s12], $0x8000  }
0x32: {  	s1 =	sadd.s32 s26, s22;
	s22 =	sadd.s32 $0x4000, s29;
	[sflag:s12] =	ssyncset.done $0x0  }
0x33: {  	s25 =	sadd.s32 $0xFFFB8000, s25;
	s22 =	smov.u32 @p0 s1;
	[sflag:s12] =	ssyncadd.s32 $0xFFFF8000  }
0x34: {  	[hbm4b:s22+s2] =	stream.linear.scatter [tilespmem:s6], [sflag:$0x5], $0x8000, $0x38;
	[tilespmem:$0x18000] =	vst v63  }
0x35: {  	s30 =	sor.u32 $0x7000, s30;
	s1 =	sshrl.u32 s25, $0x3;
	_ =	swait.ge [sflag:s14], $0x8000  }
0x36: {  	s23 =	sadd.s32 s23, s1;
	s1 =	sadd.s32 s24, s30;
	[sflag:s14] =	ssyncset.done $0x0  }
0x37: {  	s23 =	smov.u32 @p0 s1;
	[sflag:s14] =	ssyncadd.s32 $0xFFFF8000  }
0x38: {  	[tilespmem:s6], [sflag:$0x2] =	stream.linear.gather [hbm4b:s23+s2], $0x8000, $0x38;
	[tilespmem:$0x18000] =	vst v63  }
0x39: {  	_ =	swait.ge [sflag:s16], $0x8000  }
0x3a: {  	s24 =	sadd.s32 $0x5000, s29;
	s1 =	sadd.s32 s26, s31;
	[sflag:s16] =	ssyncset.done $0x0  }
0x3b: {  	s24 =	smov.u32 @p0 s1;
	[sflag:s16] =	ssyncadd.s32 $0xFFFF8000  }
0x3c: {  	[hbm4b:s24+s2] =	stream.linear.scatter [tilespmem:s7], [sflag:$0x6], $0x8000, $0x38;
	[tilespmem:$0x18000] =	vst v63  }
0x3d: {  	_ =	swait.ge [sflag:s8], $0x8000  }
0x3e: {  	s0 =	sadd.s32 s26, s0;
	s25 =	sadd.s32 $0x6000, s29;
	[sflag:s8] =	ssyncset.done $0x0  }
0x3f: {  	s25 =	smov.u32 @p0 s0;
	[sflag:s8] =	ssyncadd.s32 $0xFFFF8000  }
0x40: {  	[hbm4b:s25+s2] =	stream.linear.scatter [tilespmem:s2], [sflag:$0x4], $0x8000, $0x38;
	[tilespmem:$0x18000] =	vst v63  }
0x41: {  	s0 =	sadd.s32 s26, s30;
	_ =	swait.ge [sflag:s12], $0x8000  }
0x42: {  	s30 =	ssub.s32 $0x2, s28;
	s26 =	sadd.s32 $0x7000, s29;
	[sflag:s12] =	ssyncset.done $0x0  }
0x43: {  	s31 =	sshrl.u32 s30, $0x1;
	s26 =	smov.u32 @p0 s0;
	[sflag:s12] =	ssyncadd.s32 $0xFFFF8000  }
0x44: {  	[hbm4b:s26+s2] =	stream.linear.scatter [tilespmem:s6], [sflag:$0x5], $0x8000, $0x38;
	[tilespmem:$0x18000] =	vst v63  }
0x45: {  	s0 =	ssub.s32 s30, s31;
	_ =	swait.ge [sflag:s18], $0x8000  }
0x46: {  	s0 =	smax.u32 s0, $0x1;
	[sflag:s18] =	ssyncset.done $0x0  }
0x47: {  	p0 =	sne.s32 s0, $0x1;
	[sflag:s18] =	ssyncadd.s32 $0xFFFF8000  }
.Ltmp0:
0x48: {  	_ =	swait.ge [sflag:s10], $0x8000;
	(pc) =	sbr.rel @!p0 .LBB2_2-.Ltmp0, $4  }
0x49: {  	[sflag:s10] =	ssyncset.done $0x0  }
0x4a: {  	[sflag:s10] =	ssyncadd.s32 $0xFFFF8000  }
0x4b: {  	_ =	swait.ge [sflag:s14], $0x8000  }
0x4c: {  	s28 =	sadd.s32 $0xFFFFFFFF, s0;
	[sflag:s14] =	ssyncset.done $0x0  }
.LBB2_1:
0x4d: {  	p0 =	sne.s32 s28, $0x1;
	s28 =	sadd.s32 $0xFFFFFFFF, s28;
	[sflag:s14] =	ssyncadd.s32 $0xFFFF8000  }
0x4e: {  	[tilespmem:s2], [sflag:$0x1] =	stream.linear.gather [hbm4b:s3+s2], $0x8000, $0x38;
	[tilespmem:$0x18000] =	vst v63  }
0x4f: {  	_ = 	snop  }
0x50: {  	[tilespmem:s6], [sflag:$0x2] =	stream.linear.gather [hbm4b:s4+s2], $0x8000, $0x38;
	[tilespmem:$0x18000] =	vst v63  }
0x51: {  	_ = 	snop  }
0x52: {  	[tilespmem:s7], [sflag:$0x3] =	stream.linear.gather [hbm4b:s5+s2], $0x8000, $0x38;
	[tilespmem:$0x18000] =	vst v63  }
0x53: {  	_ =	swait.ge [sflag:s8], $0x8000  }
0x54: {  	[sflag:s8] =	ssyncset.done $0x0  }
0x55: {  	[sflag:s8] =	ssyncadd.s32 $0xFFFF8000  }
0x56: {  	[hbm4b:s9+s2] =	stream.linear.scatter [tilespmem:s2], [sflag:$0x4], $0x8000, $0x38;
	[tilespmem:$0x18000] =	vst v63  }
0x57: {  	_ =	swait.ge [sflag:s10], $0x8000  }
0x58: {  	[sflag:s10] =	ssyncset.done $0x0  }
0x59: {  	[sflag:s10] =	ssyncadd.s32 $0xFFFF8000  }
0x5a: {  	[tilespmem:s2], [sflag:$0x1] =	stream.linear.gather [hbm4b:s11+s2], $0x8000, $0x38;
	[tilespmem:$0x18000] =	vst v63  }
0x5b: {  	_ =	swait.ge [sflag:s12], $0x8000  }
0x5c: {  	[sflag:s12] =	ssyncset.done $0x0  }
0x5d: {  	[sflag:s12] =	ssyncadd.s32 $0xFFFF8000  }
0x5e: {  	[hbm4b:s13+s2] =	stream.linear.scatter [tilespmem:s6], [sflag:$0x5], $0x8000, $0x38;
	[tilespmem:$0x18000] =	vst v63  }
0x5f: {  	_ =	swait.ge [sflag:s14], $0x8000  }
0x60: {  	[sflag:s14] =	ssyncset.done $0x0  }
0x61: {  	[sflag:s14] =	ssyncadd.s32 $0xFFFF8000  }
0x62: {  	[tilespmem:s6], [sflag:$0x2] =	stream.linear.gather [hbm4b:s15+s2], $0x8000, $0x38;
	[tilespmem:$0x18000] =	vst v63  }
0x63: {  	_ =	swait.ge [sflag:s16], $0x8000  }
0x64: {  	[sflag:s16] =	ssyncset.done $0x0  }
0x65: {  	[sflag:s16] =	ssyncadd.s32 $0xFFFF8000  }
0x66: {  	[hbm4b:s17+s2] =	stream.linear.scatter [tilespmem:s7], [sflag:$0x6], $0x8000, $0x38;
	[tilespmem:$0x18000] =	vst v63  }
0x67: {  	_ =	swait.ge [sflag:s18], $0x8000  }
0x68: {  	[sflag:s18] =	ssyncset.done $0x0  }
0x69: {  	[sflag:s18] =	ssyncadd.s32 $0xFFFF8000  }
0x6a: {  	[tilespmem:s7], [sflag:$0x3] =	stream.linear.gather [hbm4b:s19+s2], $0x8000, $0x38;
	[tilespmem:$0x18000] =	vst v63  }
0x6b: {  	_ =	swait.ge [sflag:s8], $0x8000  }
0x6c: {  	[sflag:s8] =	ssyncset.done $0x0  }
0x6d: {  	[sflag:s8] =	ssyncadd.s32 $0xFFFF8000  }
0x6e: {  	[hbm4b:s20+s2] =	stream.linear.scatter [tilespmem:s2], [sflag:$0x4], $0x8000, $0x38;
	[tilespmem:$0x18000] =	vst v63  }
0x6f: {  	_ =	swait.ge [sflag:s10], $0x8000  }
0x70: {  	[sflag:s10] =	ssyncset.done $0x0  }
0x71: {  	[sflag:s10] =	ssyncadd.s32 $0xFFFF8000  }
0x72: {  	[tilespmem:s2], [sflag:$0x1] =	stream.linear.gather [hbm4b:s21+s2], $0x8000, $0x38;
	[tilespmem:$0x18000] =	vst v63  }
0x73: {  	_ =	swait.ge [sflag:s12], $0x8000  }
0x74: {  	[sflag:s12] =	ssyncset.done $0x0  }
0x75: {  	[sflag:s12] =	ssyncadd.s32 $0xFFFF8000  }
0x76: {  	[hbm4b:s22+s2] =	stream.linear.scatter [tilespmem:s6], [sflag:$0x5], $0x8000, $0x38;
	[tilespmem:$0x18000] =	vst v63  }
0x77: {  	_ =	swait.ge [sflag:s14], $0x8000  }
0x78: {  	[sflag:s14] =	ssyncset.done $0x0  }
0x79: {  	[sflag:s14] =	ssyncadd.s32 $0xFFFF8000  }
0x7a: {  	[tilespmem:s6], [sflag:$0x2] =	stream.linear.gather [hbm4b:s23+s2], $0x8000, $0x38;
	[tilespmem:$0x18000] =	vst v63  }
0x7b: {  	_ =	swait.ge [sflag:s16], $0x8000  }
0x7c: {  	[sflag:s16] =	ssyncset.done $0x0  }
0x7d: {  	[sflag:s16] =	ssyncadd.s32 $0xFFFF8000  }
0x7e: {  	[hbm4b:s24+s2] =	stream.linear.scatter [tilespmem:s7], [sflag:$0x6], $0x8000, $0x38;
	[tilespmem:$0x18000] =	vst v63  }
0x7f: {  	_ =	swait.ge [sflag:s8], $0x8000  }
0x80: {  	[sflag:s8] =	ssyncset.done $0x0  }
0x81: {  	[sflag:s8] =	ssyncadd.s32 $0xFFFF8000  }
0x82: {  	[hbm4b:s25+s2] =	stream.linear.scatter [tilespmem:s2], [sflag:$0x4], $0x8000, $0x38;
	[tilespmem:$0x18000] =	vst v63  }
0x83: {  	_ =	swait.ge [sflag:s12], $0x8000  }
0x84: {  	[sflag:s12] =	ssyncset.done $0x0  }
0x85: {  	[sflag:s12] =	ssyncadd.s32 $0xFFFF8000  }
0x86: {  	[hbm4b:s26+s2] =	stream.linear.scatter [tilespmem:s6], [sflag:$0x5], $0x8000, $0x38;
	[tilespmem:$0x18000] =	vst v63  }
0x87: {  	_ =	swait.ge [sflag:s18], $0x8000  }
0x88: {  	[sflag:s18] =	ssyncset.done $0x0  }
0x89: {  	[sflag:s18] =	ssyncadd.s32 $0xFFFF8000  }
.Ltmp1:
0x8a: {  	_ =	swait.ge [sflag:s10], $0x8000;
	(pc) =	sbr.rel @p0 .LBB2_1-.Ltmp1, $4  }
0x8b: {  	[sflag:s10] =	ssyncset.done $0x0  }
0x8c: {  	[sflag:s10] =	ssyncadd.s32 $0xFFFF8000  }
0x8d: {  	_ =	swait.ge [sflag:s14], $0x8000  }
0x8e: {  	[sflag:s14] =	ssyncset.done $0x0  }
.LBB2_2:
0x8f: {  	[sflag:s14] =	ssyncadd.s32 $0xFFFF8000  }
0x90: {  	_ =	sfence.sel $0x180000  }
0x91: {  	[bflag:$0x0] =	sbarrier.arrive $0xFFFF  }
0x92: {  	_ =	strace $0x90000047  }
0x93: {  	s0 =	stileid.u32;
	[bflag:$0x2] =	sbarrier.arrive $0xFFFF  }
0x94: {  	p0 =	sne.s32 s0, $0x0;
	s0 =	rddreg [dreg:$0x2]  }
0x95: {  	s0 =	sadd.s32 @!p0 $0x100000, s0  }
0x96: {  	[sflag:s0] =	ssyncadd.tile.s32 @!p0 $0x1;
	_ =	shalt  }
.Lfunc_end2:
_tile_overlayer_lowered:
.L_overlay_start_2:
0x97: {  	(tag) =	ssettag $0x2  }
0x98: {  	s0 =	rddreg [dreg:$0x0];
	s2 =	stileid.u32  }
0x99: {  	s1 =	rddreg [dreg:$0x1];
	p0 =	sne.s32 s2, $0x0  }
0x9a: {  	s3 =	rddreg [dreg:$0x2];
	[bflag:$0x3] =	sbarrier.arrive $0xFFFF;
	s2 =	simm.s32 @!p0 $0x1C07  }
0x9b: {  	[timem:s3], [sflag:s2] =	dma.local @!p0 [hbm:s0], s1  }
0x9c: {  	s0 =	simm.s32 @!p0 $0x7  }
0x9d: {  	_ =	swait.ge @!p0 [sflag:s0], s1  }
0x9e: {  	s1 =	ssub.s32 @!p0 $0x0, s1;
	[sflag:s0] =	ssyncset.done @!p0 $0x0  }
0x9f: {  	[sflag:s0] =	ssyncadd.s32 @!p0 s1  }
0xa0: {  	[bflag:$0x3] =	sbarrier.arrive $0xFFFF  }
0xa1: {  	_ =	shalt  }

</sc_bundles>
